<compile_context>
chip_gen: v7x
topology: tpu7x:2x2x1
jax: 0.10.2.dev20260603
libtpu: 0.0.44.dev20260713+nightly
codegen_flags: <defaults>
</compile_context>

<pallas_src>
import functools

import jax
import jax.numpy as jnp
from jax import lax
from jax.experimental import pallas as pl
from jax.experimental.pallas import tpu as pltpu
from jax.experimental.pallas import tpu_sc as plsc

_B = 16384
_DM = 32
_DS = 16
_D = _DM + _DS
_NC = 2
_NS = 16
_NW = _NC * _NS
_BPW = _B // _NW
_G = 8
_NG = _BPW // _G

_mesh = plsc.VectorSubcoreMesh(core_axis_name="c", subcore_axis_name="s")


@functools.partial(
    pl.kernel,
    out_type=jax.ShapeDtypeStruct((_B, _D), jnp.float32),
    mesh=_mesh,
    scratch_types=[
        pltpu.VMEM((_BPW + 8,), jnp.int32),
        pltpu.VMEM((_BPW + 8,), jnp.int32),
        pltpu.VMEM((2, _G, _DM, 128), jnp.float32),
        pltpu.VMEM((2, _G, 8, _DS), jnp.float32),
        pltpu.VMEM((2, _G, _D), jnp.float32),
        pltpu.SemaphoreType.DMA,
        pltpu.SemaphoreType.DMA,
        pltpu.SemaphoreType.DMA,
    ],
    compiler_params=pltpu.CompilerParams(needs_layout_passes=False),
)
def _gather_kernel(mid_hbm, sid_hbm, wmt_hbm, ws_hbm, out_hbm,
                   idx_m, idx_s, blk_m, blk_s, rows_v,
                   sem_m, sem_s, sem_o):
    wid = lax.axis_index("s") * _NC + lax.axis_index("c")
    base = wid * _BPW
    pltpu.sync_copy(mid_hbm.at[pl.ds(base, _BPW)], idx_m.at[pl.ds(0, _BPW)])
    pltpu.sync_copy(sid_hbm.at[pl.ds(base, _BPW)], idx_s.at[pl.ds(0, _BPW)])

    def fire(g, slot):
        cm_vec = jax.lax.shift_right_logical(idx_m[pl.ds(g * _G, 16)], 7)
        ts_vec = jax.lax.shift_right_logical(idx_s[pl.ds(g * _G, 16)], 3)
        for k in range(_G):
            off = pl.multiple_of(cm_vec[k] * 128, 128)
            pltpu.async_copy(
                wmt_hbm.at[:, pl.ds(off, 128)], blk_m.at[slot, k], sem_m)
            pltpu.async_copy(ws_hbm.at[ts_vec[k]], blk_s.at[slot, k], sem_s)

    iota16 = lax.iota(jnp.int32, 16)

    def drain_extract(g, slot):
        lm_vec = jax.lax.bitwise_and(idx_m[pl.ds(g * _G, 16)], 127)
        rs_vec = jax.lax.bitwise_and(idx_s[pl.ds(g * _G, 16)], 7)
        for k in range(_G):
            pltpu.make_async_copy(
                wmt_hbm.at[:, pl.ds(0, 128)], blk_m.at[slot, k], sem_m).wait()
        pltpu.make_async_copy(ws_hbm.at[pl.ds(0, _G)], blk_s.at[slot], sem_s).wait()
        for k in range(_G):
            lane = jnp.full((16,), lm_vec[k], jnp.int32)
            rows_v[slot, k, pl.ds(0, 16)] = plsc.load_gather(
                blk_m.at[slot, k], [iota16, lane])
            rows_v[slot, k, pl.ds(16, 16)] = plsc.load_gather(
                blk_m.at[slot, k], [iota16 + 16, lane])
            rows_v[slot, k, pl.ds(_DM, 16)] = blk_s[slot, k, rs_vec[k], pl.ds(0, 16)]
        pltpu.async_copy(rows_v.at[slot], out_hbm.at[pl.ds(base + g * _G, _G)], sem_o)

    fire(0, 0)

    @pl.loop(0, _NG)
    def _body(c):
        slot = jax.lax.bitwise_and(c, 1)
        nslot = jax.lax.bitwise_and(c + 1, 1)

        @pl.when(c + 1 < _NG)
        def _():
            fire(c + 1, nslot)

        @pl.when(c >= 2)
        def _():
            pltpu.make_async_copy(
                rows_v.at[slot], out_hbm.at[pl.ds(base, _G)], sem_o).wait()

        drain_extract(c, slot)

    pltpu.make_async_copy(rows_v.at[0], out_hbm.at[pl.ds(base, _G)], sem_o).wait()
    pltpu.make_async_copy(rows_v.at[1], out_hbm.at[pl.ds(base, _G)], sem_o).wait()


def kernel(material_id, space_group, W_material, W_space):
    wmt = W_material.T
    ws3 = W_space.reshape(12500, 8, _DS)
    return _gather_kernel(material_id.astype(jnp.int32),
                          space_group.astype(jnp.int32), wmt, ws3)

# --- scband reference (transcript-rebuilt; emitter-appended) ---
"""Pipeline reference for scband-embedding-graph-attrs-51522427682881 (READ-ONLY COPY).

The authoritative reference and input builder live on the scoring server;
editing this copy changes nothing except your own understanding.
"""

import jax, jax.numpy as jnp
import numpy as np
import math

B = 16384
N_MATERIAL = 1000000  # num_types (999999) + 1
D_MATERIAL = 32
N_SPACE = 100000      # num_types (99999) + 1
D_SPACE = 16


def setup_inputs(seed: int = 0) -> dict:
    key = jax.random.key(seed)
    k1, k2, k3, k4 = jax.random.split(key, 4)
    material_id = jax.random.randint(k1, (B,), 0, N_MATERIAL)
    space_group = jax.random.randint(k2, (B,), 0, N_SPACE)
    # torch.nn.init.normal_(weight, mean=0, std=math.isqrt(embedding_dim))
    W_material = jax.random.normal(k3, (N_MATERIAL, D_MATERIAL), dtype=jnp.float32) * float(math.isqrt(D_MATERIAL))
    W_space = jax.random.normal(k4, (N_SPACE, D_SPACE), dtype=jnp.float32) * float(math.isqrt(D_SPACE))
    return {
        "material_id": material_id,
        "space_group": space_group,
        "W_material": W_material,
        "W_space": W_space,
    }


def reference(material_id, space_group, W_material, W_space):
    # data[attribute_name].squeeze() -> indices are already 1-D [B]
    e_material = jnp.take(W_material, material_id, axis=0)  # [B, 32]
    e_space = jnp.take(W_space, space_group, axis=0)        # [B, 16]
    # data[GRAPH_ATTRS_KEY] = torch.cat(out, dim=-1)
    graph_attrs = jnp.concatenate([e_material, e_space], axis=-1)  # [B, 48]
    return graph_attrs

if __name__ == "__main__":
    import jax
    _d = setup_inputs()
    print(jax.jit(kernel)(*tuple(_d.values())))

</pallas_src>

<mosaic_0001>
#map = affine_map<(d0, d1) -> (0)>
#map1 = affine_map<(d0, d1) -> (0, 0)>
#map2 = affine_map<(d0, d1) -> (0, 0, 0)>
module attributes {stable_mosaic.version = 14 : i64} {
  func.func @_gather_kernel(%arg0: i32, %arg1: i32, %arg2: memref<16384xi32, #tpu.memory_space<hbm>>, %arg3: memref<16384xi32, #tpu.memory_space<hbm>>, %arg4: memref<32x1000000xf32, #tpu.memory_space<hbm>>, %arg5: memref<12500x8x16xf32, #tpu.memory_space<hbm>>, %arg6: memref<16384x48xf32, #tpu.memory_space<hbm>>, %arg7: memref<520xi32, #tpu.memory_space<vmem>>, %arg8: memref<520xi32, #tpu.memory_space<vmem>>, %arg9: memref<2x8x32x128xf32, #tpu.memory_space<vmem>>, %arg10: memref<2x8x8x16xf32, #tpu.memory_space<vmem>>, %arg11: memref<2x8x48xf32, #tpu.memory_space<vmem>>, %arg12: memref<!tpu.dma_semaphore, #tpu.memory_space<semaphore_mem>>, %arg13: memref<!tpu.dma_semaphore, #tpu.memory_space<semaphore_mem>>, %arg14: memref<!tpu.dma_semaphore, #tpu.memory_space<semaphore_mem>>) attributes {dimension_semantics = [#tpu.dimension_semantics<core_parallel>, #tpu.dimension_semantics<subcore_parallel>], iteration_bounds = array<i64: 2, 16>, scalar_prefetch = 0 : i64, scratch_operands = 8 : i64, tpu.core_type = #tpu.core_type<sc_vector_subcore>, window_params = [{transform_indices = #map}, {transform_indices = #map}, {transform_indices = #map1}, {transform_indices = #map2}, {transform_indices = #map1}]} {
    %mul3A = arith.constant 2 : i32
    %mul3A_0 = arith.muli %arg1, %mul3A : i32
    %add3A = arith.addi %mul3A_0, %arg0 : i32
    %mul3A_1 = arith.constant 512 : i32
    %mul3A_2 = arith.muli %add3A, %mul3A_1 : i32
    "tpu.region"() ({
      %run_scoped3A = tpu.sem_alloc : memref<!tpu.dma_semaphore, #tpu.memory_space<semaphore_mem>>
      %dma_start3A_348 = arith.constant 0 : i32
      %dma_start3A_349 = tpu.memref_slice %arg7[%dma_start3A_348] : memref<520xi32, #tpu.memory_space<vmem>> -> memref<512xi32, #tpu.memory_space<vmem>>
      %dma_start3A_350 = tpu.memref_slice %arg2[%mul3A_2] : memref<16384xi32, #tpu.memory_space<hbm>> -> memref<512xi32, #tpu.memory_space<hbm>>
      %dma_start3A_351 = arith.constant 0 : i32
      %dma_start3A_352 = tpu.memref_slice %arg7[%dma_start3A_351] : memref<520xi32, #tpu.memory_space<vmem>> -> memref<512xi32, #tpu.memory_space<vmem>>
      %dma_start3A_353 = tpu.memref_slice %arg2[%mul3A_2] : memref<16384xi32, #tpu.memory_space<hbm>> -> memref<512xi32, #tpu.memory_space<hbm>>
      tpu.enqueue_dma source(%dma_start3A_353 : memref<512xi32, #tpu.memory_space<hbm>>) target(%dma_start3A_352 : memref<512xi32, #tpu.memory_space<vmem>>) target_semaphore(%run_scoped3A : memref<!tpu.dma_semaphore, #tpu.memory_space<semaphore_mem>>)
      %dma_wait3A_354 = arith.constant 0 : i32
      %dma_wait3A_355 = tpu.memref_slice %arg7[%dma_wait3A_354] : memref<520xi32, #tpu.memory_space<vmem>> -> memref<512xi32, #tpu.memory_space<vmem>>
      %dma_wait3A_356 = tpu.memref_slice %arg2[%mul3A_2] : memref<16384xi32, #tpu.memory_space<hbm>> -> memref<512xi32, #tpu.memory_space<hbm>>
      %dma_wait3A_357 = arith.constant 0 : i32
      %dma_wait3A_358 = tpu.memref_slice %arg7[%dma_wait3A_357] : memref<520xi32, #tpu.memory_space<vmem>> -> memref<512xi32, #tpu.memory_space<vmem>>
      %dma_wait3A_359 = tpu.memref_slice %arg2[%mul3A_2] : memref<16384xi32, #tpu.memory_space<hbm>> -> memref<512xi32, #tpu.memory_space<hbm>>
      tpu.wait_dma2 semaphore(%run_scoped3A : memref<!tpu.dma_semaphore, #tpu.memory_space<semaphore_mem>>) src(%dma_wait3A_359 : memref<512xi32, #tpu.memory_space<hbm>>) dst(%dma_wait3A_358 : memref<512xi32, #tpu.memory_space<vmem>>)
      tpu.yield
    }) : () -> ()
    "tpu.region"() ({
      %run_scoped3A = tpu.sem_alloc : memref<!tpu.dma_semaphore, #tpu.memory_space<semaphore_mem>>
      %dma_start3A_348 = arith.constant 0 : i32
      %dma_start3A_349 = tpu.memref_slice %arg8[%dma_start3A_348] : memref<520xi32, #tpu.memory_space<vmem>> -> memref<512xi32, #tpu.memory_space<vmem>>
      %dma_start3A_350 = tpu.memref_slice %arg3[%mul3A_2] : memref<16384xi32, #tpu.memory_space<hbm>> -> memref<512xi32, #tpu.memory_space<hbm>>
      %dma_start3A_351 = arith.constant 0 : i32
      %dma_start3A_352 = tpu.memref_slice %arg8[%dma_start3A_351] : memref<520xi32, #tpu.memory_space<vmem>> -> memref<512xi32, #tpu.memory_space<vmem>>
      %dma_start3A_353 = tpu.memref_slice %arg3[%mul3A_2] : memref<16384xi32, #tpu.memory_space<hbm>> -> memref<512xi32, #tpu.memory_space<hbm>>
      tpu.enqueue_dma source(%dma_start3A_353 : memref<512xi32, #tpu.memory_space<hbm>>) target(%dma_start3A_352 : memref<512xi32, #tpu.memory_space<vmem>>) target_semaphore(%run_scoped3A : memref<!tpu.dma_semaphore, #tpu.memory_space<semaphore_mem>>)
      %dma_wait3A_354 = arith.constant 0 : i32
      %dma_wait3A_355 = tpu.memref_slice %arg8[%dma_wait3A_354] : memref<520xi32, #tpu.memory_space<vmem>> -> memref<512xi32, #tpu.memory_space<vmem>>
      %dma_wait3A_356 = tpu.memref_slice %arg3[%mul3A_2] : memref<16384xi32, #tpu.memory_space<hbm>> -> memref<512xi32, #tpu.memory_space<hbm>>
      %dma_wait3A_357 = arith.constant 0 : i32
      %dma_wait3A_358 = tpu.memref_slice %arg8[%dma_wait3A_357] : memref<520xi32, #tpu.memory_space<vmem>> -> memref<512xi32, #tpu.memory_space<vmem>>
      %dma_wait3A_359 = tpu.memref_slice %arg3[%mul3A_2] : memref<16384xi32, #tpu.memory_space<hbm>> -> memref<512xi32, #tpu.memory_space<hbm>>
      tpu.wait_dma2 semaphore(%run_scoped3A : memref<!tpu.dma_semaphore, #tpu.memory_space<semaphore_mem>>) src(%dma_wait3A_359 : memref<512xi32, #tpu.memory_space<hbm>>) dst(%dma_wait3A_358 : memref<512xi32, #tpu.memory_space<vmem>>)
      tpu.yield
    }) : () -> ()
    %iota3A = tpu.iota {dimensions = array<i32: 0>} : vector<16xi32>
    %get3A = arith.constant 0 : index
    %get3A_3 = tpu.vector_load %arg7[%get3A] {strides = array<i32>} : memref<520xi32, #tpu.memory_space<vmem>>, vector<16xi32>,
    %shift_right_logical3A = arith.constant 7 : i32
    %shift_right_logical3A_4 = vector.broadcast %shift_right_logical3A : i32 to vector<16xi32>
    %shift_right_logical3A_5 = arith.shrui %get3A_3, %shift_right_logical3A_4 : vector<16xi32>
    %get3A_6 = arith.constant 0 : index
    %get3A_7 = tpu.vector_load %arg8[%get3A_6] {strides = array<i32>} : memref<520xi32, #tpu.memory_space<vmem>>, vector<16xi32>,
    %shift_right_logical3A_8 = arith.constant 3 : i32
    %shift_right_logical3A_9 = vector.broadcast %shift_right_logical3A_8 : i32 to vector<16xi32>
    %shift_right_logical3A_10 = arith.shrui %get3A_7, %shift_right_logical3A_9 : vector<16xi32>
    %slice3A = vector.extract_strided_slice %shift_right_logical3A_5 {offsets = [0], sizes = [1], strides = [1]} : vector<16xi32> to vector<1xi32>
    %squeeze3A = vector.extract %slice3A[0] : i32 from vector<1xi32>
    %mul3A_11 = arith.constant 128 : i32
    %mul3A_12 = arith.muli %squeeze3A, %mul3A_11 : i32
    %multiple_of3A = tpu.assume_multiple %mul3A_12, 128 : i32
    %dma_start3A = arith.constant 0 : i32
    %dma_start3A_13 = arith.constant 0 : i32
    %dma_start3A_14 = arith.constant 0 : i32
    %dma_start3A_15 = arith.constant 0 : i32
    %dma_start3A_16 = tpu.memref_slice %arg9[%dma_start3A, %dma_start3A_13, %dma_start3A_14, %dma_start3A_15] : memref<2x8x32x128xf32, #tpu.memory_space<vmem>> -> memref<1x1x32x128xf32, #tpu.memory_space<vmem>>
    %dma_start3A_17 = tpu.memref_squeeze %dma_start3A_16 : memref<1x1x32x128xf32, #tpu.memory_space<vmem>> -> memref<32x128xf32, #tpu.memory_space<vmem>>
    %dma_start3A_18 = arith.constant 0 : i32
    %dma_start3A_19 = tpu.memref_slice %arg4[%dma_start3A_18, %multiple_of3A] : memref<32x1000000xf32, #tpu.memory_space<hbm>> -> memref<32x128xf32, #tpu.memory_space<hbm>>
    %dma_start3A_20 = arith.constant 0 : i32
    %dma_start3A_21 = arith.constant 0 : i32
    %dma_start3A_22 = tpu.memref_slice %arg9[%dma_start3A, %dma_start3A_13, %dma_start3A_20, %dma_start3A_21] : memref<2x8x32x128xf32, #tpu.memory_space<vmem>> -> memref<1x1x32x128xf32, #tpu.memory_space<vmem>>
    %dma_start3A_23 = tpu.memref_squeeze %dma_start3A_22 : memref<1x1x32x128xf32, #tpu.memory_space<vmem>> -> memref<32x128xf32, #tpu.memory_space<vmem>>
    %dma_start3A_24 = arith.constant 0 : i32
    %dma_start3A_25 = tpu.memref_slice %arg4[%dma_start3A_24, %multiple_of3A] : memref<32x1000000xf32, #tpu.memory_space<hbm>> -> memref<32x128xf32, #tpu.memory_space<hbm>>
    tpu.enqueue_dma source(%dma_start3A_25 : memref<32x128xf32, #tpu.memory_space<hbm>>) target(%dma_start3A_23 : memref<32x128xf32, #tpu.memory_space<vmem>>) target_semaphore(%arg12 : memref<!tpu.dma_semaphore, #tpu.memory_space<semaphore_mem>>)
    %slice3A_26 = vector.extract_strided_slice %shift_right_logical3A_10 {offsets = [0], sizes = [1], strides = [1]} : vector<16xi32> to vector<1xi32>
    %squeeze3A_27 = vector.extract %slice3A_26[0] : i32 from vector<1xi32>
    %dma_start3A_28 = arith.constant 0 : i32
    %dma_start3A_29 = arith.constant 0 : i32
    %dma_start3A_30 = arith.constant 0 : i32
    %dma_start3A_31 = arith.constant 0 : i32
    %dma_start3A_32 = tpu.memref_slice %arg10[%dma_start3A_28, %dma_start3A_29, %dma_start3A_30, %dma_start3A_31] : memref<2x8x8x16xf32, #tpu.memory_space<vmem>> -> memref<1x1x8x16xf32, #tpu.memory_space<vmem>>
    %dma_start3A_33 = tpu.memref_squeeze %dma_start3A_32 : memref<1x1x8x16xf32, #tpu.memory_space<vmem>> -> memref<8x16xf32, #tpu.memory_space<vmem>>
    %dma_start3A_34 = arith.constant 0 : i32
    %dma_start3A_35 = arith.constant 0 : i32
    %dma_start3A_36 = tpu.memref_slice %arg5[%squeeze3A_27, %dma_start3A_34, %dma_start3A_35] : memref<12500x8x16xf32, #tpu.memory_space<hbm>> -> memref<1x8x16xf32, #tpu.memory_space<hbm>>
    %dma_start3A_37 = tpu.memref_squeeze %dma_start3A_36 : memref<1x8x16xf32, #tpu.memory_space<hbm>> -> memref<8x16xf32, #tpu.memory_space<hbm>>
    %dma_start3A_38 = arith.constant 0 : i32
    %dma_start3A_39 = arith.constant 0 : i32
    %dma_start3A_40 = tpu.memref_slice %arg10[%dma_start3A_28, %dma_start3A_29, %dma_start3A_38, %dma_start3A_39] : memref<2x8x8x16xf32, #tpu.memory_space<vmem>> -> memref<1x1x8x16xf32, #tpu.memory_space<vmem>>
    %dma_start3A_41 = tpu.memref_squeeze %dma_start3A_40 : memref<1x1x8x16xf32, #tpu.memory_space<vmem>> -> memref<8x16xf32, #tpu.memory_space<vmem>>
    %dma_start3A_42 = arith.constant 0 : i32
    %dma_start3A_43 = arith.constant 0 : i32
    %dma_start3A_44 = tpu.memref_slice %arg5[%squeeze3A_27, %dma_start3A_42, %dma_start3A_43] : memref<12500x8x16xf32, #tpu.memory_space<hbm>> -> memref<1x8x16xf32, #tpu.memory_space<hbm>>
    %dma_start3A_45 = tpu.memref_squeeze %dma_start3A_44 : memref<1x8x16xf32, #tpu.memory_space<hbm>> -> memref<8x16xf32, #tpu.memory_space<hbm>>
    tpu.enqueue_dma source(%dma_start3A_45 : memref<8x16xf32, #tpu.memory_space<hbm>>) target(%dma_start3A_41 : memref<8x16xf32, #tpu.memory_space<vmem>>) target_semaphore(%arg13 : memref<!tpu.dma_semaphore, #tpu.memory_space<semaphore_mem>>)
    %slice3A_46 = vector.extract_strided_slice %shift_right_logical3A_5 {offsets = [1], sizes = [1], strides = [1]} : vector<16xi32> to vector<1xi32>
    %squeeze3A_47 = vector.extract %slice3A_46[0] : i32 from vector<1xi32>
    %mul3A_48 = arith.constant 128 : i32
    %mul3A_49 = arith.muli %squeeze3A_47, %mul3A_48 : i32
    %multiple_of3A_50 = tpu.assume_multiple %mul3A_49, 128 : i32
    %dma_start3A_51 = arith.constant 0 : i32
    %dma_start3A_52 = arith.constant 1 : i32
    %dma_start3A_53 = arith.constant 0 : i32
    %dma_start3A_54 = arith.constant 0 : i32
    %dma_start3A_55 = tpu.memref_slice %arg9[%dma_start3A_51, %dma_start3A_52, %dma_start3A_53, %dma_start3A_54] : memref<2x8x32x128xf32, #tpu.memory_space<vmem>> -> memref<1x1x32x128xf32, #tpu.memory_space<vmem>>
    %dma_start3A_56 = tpu.memref_squeeze %dma_start3A_55 : memref<1x1x32x128xf32, #tpu.memory_space<vmem>> -> memref<32x128xf32, #tpu.memory_space<vmem>>
    %dma_start3A_57 = arith.constant 0 : i32
    %dma_start3A_58 = tpu.memref_slice %arg4[%dma_start3A_57, %multiple_of3A_50] : memref<32x1000000xf32, #tpu.memory_space<hbm>> -> memref<32x128xf32, #tpu.memory_space<hbm>>
    %dma_start3A_59 = arith.constant 0 : i32
    %dma_start3A_60 = arith.constant 0 : i32
    %dma_start3A_61 = tpu.memref_slice %arg9[%dma_start3A_51, %dma_start3A_52, %dma_start3A_59, %dma_start3A_60] : memref<2x8x32x128xf32, #tpu.memory_space<vmem>> -> memref<1x1x32x128xf32, #tpu.memory_space<vmem>>
    %dma_start3A_62 = tpu.memref_squeeze %dma_start3A_61 : memref<1x1x32x128xf32, #tpu.memory_space<vmem>> -> memref<32x128xf32, #tpu.memory_space<vmem>>
    %dma_start3A_63 = arith.constant 0 : i32
    %dma_start3A_64 = tpu.memref_slice %arg4[%dma_start3A_63, %multiple_of3A_50] : memref<32x1000000xf32, #tpu.memory_space<hbm>> -> memref<32x128xf32, #tpu.memory_space<hbm>>
    tpu.enqueue_dma source(%dma_start3A_64 : memref<32x128xf32, #tpu.memory_space<hbm>>) target(%dma_start3A_62 : memref<32x128xf32, #tpu.memory_space<vmem>>) target_semaphore(%arg12 : memref<!tpu.dma_semaphore, #tpu.memory_space<semaphore_mem>>)
    %slice3A_65 = vector.extract_strided_slice %shift_right_logical3A_10 {offsets = [1], sizes = [1], strides = [1]} : vector<16xi32> to vector<1xi32>
    %squeeze3A_66 = vector.extract %slice3A_65[0] : i32 from vector<1xi32>
    %dma_start3A_67 = arith.constant 0 : i32
    %dma_start3A_68 = arith.constant 1 : i32
    %dma_start3A_69 = arith.constant 0 : i32
    %dma_start3A_70 = arith.constant 0 : i32
    %dma_start3A_71 = tpu.memref_slice %arg10[%dma_start3A_67, %dma_start3A_68, %dma_start3A_69, %dma_start3A_70] : memref<2x8x8x16xf32, #tpu.memory_space<vmem>> -> memref<1x1x8x16xf32, #tpu.memory_space<vmem>>
    %dma_start3A_72 = tpu.memref_squeeze %dma_start3A_71 : memref<1x1x8x16xf32, #tpu.memory_space<vmem>> -> memref<8x16xf32, #tpu.memory_space<vmem>>
    %dma_start3A_73 = arith.constant 0 : i32
    %dma_start3A_74 = arith.constant 0 : i32
    %dma_start3A_75 = tpu.memref_slice %arg5[%squeeze3A_66, %dma_start3A_73, %dma_start3A_74] : memref<12500x8x16xf32, #tpu.memory_space<hbm>> -> memref<1x8x16xf32, #tpu.memory_space<hbm>>
    %dma_start3A_76 = tpu.memref_squeeze %dma_start3A_75 : memref<1x8x16xf32, #tpu.memory_space<hbm>> -> memref<8x16xf32, #tpu.memory_space<hbm>>
    %dma_start3A_77 = arith.constant 0 : i32
    %dma_start3A_78 = arith.constant 0 : i32
    %dma_start3A_79 = tpu.memref_slice %arg10[%dma_start3A_67, %dma_start3A_68, %dma_start3A_77, %dma_start3A_78] : memref<2x8x8x16xf32, #tpu.memory_space<vmem>> -> memref<1x1x8x16xf32, #tpu.memory_space<vmem>>
    %dma_start3A_80 = tpu.memref_squeeze %dma_start3A_79 : memref<1x1x8x16xf32, #tpu.memory_space<vmem>> -> memref<8x16xf32, #tpu.memory_space<vmem>>
    %dma_start3A_81 = arith.constant 0 : i32
    %dma_start3A_82 = arith.constant 0 : i32
    %dma_start3A_83 = tpu.memref_slice %arg5[%squeeze3A_66, %dma_start3A_81, %dma_start3A_82] : memref<12500x8x16xf32, #tpu.memory_space<hbm>> -> memref<1x8x16xf32, #tpu.memory_space<hbm>>
    %dma_start3A_84 = tpu.memref_squeeze %dma_start3A_83 : memref<1x8x16xf32, #tpu.memory_space<hbm>> -> memref<8x16xf32, #tpu.memory_space<hbm>>
    tpu.enqueue_dma source(%dma_start3A_84 : memref<8x16xf32, #tpu.memory_space<hbm>>) target(%dma_start3A_80 : memref<8x16xf32, #tpu.memory_space<vmem>>) target_semaphore(%arg13 : memref<!tpu.dma_semaphore, #tpu.memory_space<semaphore_mem>>)
    %slice3A_85 = vector.extract_strided_slice %shift_right_logical3A_5 {offsets = [2], sizes = [1], strides = [1]} : vector<16xi32> to vector<1xi32>
    %squeeze3A_86 = vector.extract %slice3A_85[0] : i32 from vector<1xi32>
    %mul3A_87 = arith.constant 128 : i32
    %mul3A_88 = arith.muli %squeeze3A_86, %mul3A_87 : i32
    %multiple_of3A_89 = tpu.assume_multiple %mul3A_88, 128 : i32
    %dma_start3A_90 = arith.constant 0 : i32
    %dma_start3A_91 = arith.constant 2 : i32
    %dma_start3A_92 = arith.constant 0 : i32
    %dma_start3A_93 = arith.constant 0 : i32
    %dma_start3A_94 = tpu.memref_slice %arg9[%dma_start3A_90, %dma_start3A_91, %dma_start3A_92, %dma_start3A_93] : memref<2x8x32x128xf32, #tpu.memory_space<vmem>> -> memref<1x1x32x128xf32, #tpu.memory_space<vmem>>
    %dma_start3A_95 = tpu.memref_squeeze %dma_start3A_94 : memref<1x1x32x128xf32, #tpu.memory_space<vmem>> -> memref<32x128xf32, #tpu.memory_space<vmem>>
    %dma_start3A_96 = arith.constant 0 : i32
    %dma_start3A_97 = tpu.memref_slice %arg4[%dma_start3A_96, %multiple_of3A_89] : memref<32x1000000xf32, #tpu.memory_space<hbm>> -> memref<32x128xf32, #tpu.memory_space<hbm>>
    %dma_start3A_98 = arith.constant 0 : i32
    %dma_start3A_99 = arith.constant 0 : i32
    %dma_start3A_100 = tpu.memref_slice %arg9[%dma_start3A_90, %dma_start3A_91, %dma_start3A_98, %dma_start3A_99] : memref<2x8x32x128xf32, #tpu.memory_space<vmem>> -> memref<1x1x32x128xf32, #tpu.memory_space<vmem>>
    %dma_start3A_101 = tpu.memref_squeeze %dma_start3A_100 : memref<1x1x32x128xf32, #tpu.memory_space<vmem>> -> memref<32x128xf32, #tpu.memory_space<vmem>>
    %dma_start3A_102 = arith.constant 0 : i32
    %dma_start3A_103 = tpu.memref_slice %arg4[%dma_start3A_102, %multiple_of3A_89] : memref<32x1000000xf32, #tpu.memory_space<hbm>> -> memref<32x128xf32, #tpu.memory_space<hbm>>
    tpu.enqueue_dma source(%dma_start3A_103 : memref<32x128xf32, #tpu.memory_space<hbm>>) target(%dma_start3A_101 : memref<32x128xf32, #tpu.memory_space<vmem>>) target_semaphore(%arg12 : memref<!tpu.dma_semaphore, #tpu.memory_space<semaphore_mem>>)
    %slice3A_104 = vector.extract_strided_slice %shift_right_logical3A_10 {offsets = [2], sizes = [1], strides = [1]} : vector<16xi32> to vector<1xi32>
    %squeeze3A_105 = vector.extract %slice3A_104[0] : i32 from vector<1xi32>
    %dma_start3A_106 = arith.constant 0 : i32
    %dma_start3A_107 = arith.constant 2 : i32
    %dma_start3A_108 = arith.constant 0 : i32
    %dma_start3A_109 = arith.constant 0 : i32
    %dma_start3A_110 = tpu.memref_slice %arg10[%dma_start3A_106, %dma_start3A_107, %dma_start3A_108, %dma_start3A_109] : memref<2x8x8x16xf32, #tpu.memory_space<vmem>> -> memref<1x1x8x16xf32, #tpu.memory_space<vmem>>
    %dma_start3A_111 = tpu.memref_squeeze %dma_start3A_110 : memref<1x1x8x16xf32, #tpu.memory_space<vmem>> -> memref<8x16xf32, #tpu.memory_space<vmem>>
    %dma_start3A_112 = arith.constant 0 : i32
    %dma_start3A_113 = arith.constant 0 : i32
    %dma_start3A_114 = tpu.memref_slice %arg5[%squeeze3A_105, %dma_start3A_112, %dma_start3A_113] : memref<12500x8x16xf32, #tpu.memory_space<hbm>> -> memref<1x8x16xf32, #tpu.memory_space<hbm>>
    %dma_start3A_115 = tpu.memref_squeeze %dma_start3A_114 : memref<1x8x16xf32, #tpu.memory_space<hbm>> -> memref<8x16xf32, #tpu.memory_space<hbm>>
    %dma_start3A_116 = arith.constant 0 : i32
    %dma_start3A_117 = arith.constant 0 : i32
    %dma_start3A_118 = tpu.memref_slice %arg10[%dma_start3A_106, %dma_start3A_107, %dma_start3A_116, %dma_start3A_117] : memref<2x8x8x16xf32, #tpu.memory_space<vmem>> -> memref<1x1x8x16xf32, #tpu.memory_space<vmem>>
    %dma_start3A_119 = tpu.memref_squeeze %dma_start3A_118 : memref<1x1x8x16xf32, #tpu.memory_space<vmem>> -> memref<8x16xf32, #tpu.memory_space<vmem>>
    %dma_start3A_120 = arith.constant 0 : i32
    %dma_start3A_121 = arith.constant 0 : i32
    %dma_start3A_122 = tpu.memref_slice %arg5[%squeeze3A_105, %dma_start3A_120, %dma_start3A_121] : memref<12500x8x16xf32, #tpu.memory_space<hbm>> -> memref<1x8x16xf32, #tpu.memory_space<hbm>>
    %dma_start3A_123 = tpu.memref_squeeze %dma_start3A_122 : memref<1x8x16xf32, #tpu.memory_space<hbm>> -> memref<8x16xf32, #tpu.memory_space<hbm>>
    tpu.enqueue_dma source(%dma_start3A_123 : memref<8x16xf32, #tpu.memory_space<hbm>>) target(%dma_start3A_119 : memref<8x16xf32, #tpu.memory_space<vmem>>) target_semaphore(%arg13 : memref<!tpu.dma_semaphore, #tpu.memory_space<semaphore_mem>>)
    %slice3A_124 = vector.extract_strided_slice %shift_right_logical3A_5 {offsets = [3], sizes = [1], strides = [1]} : vector<16xi32> to vector<1xi32>
    %squeeze3A_125 = vector.extract %slice3A_124[0] : i32 from vector<1xi32>
    %mul3A_126 = arith.constant 128 : i32
    %mul3A_127 = arith.muli %squeeze3A_125, %mul3A_126 : i32
    %multiple_of3A_128 = tpu.assume_multiple %mul3A_127, 128 : i32
    %dma_start3A_129 = arith.constant 0 : i32
    %dma_start3A_130 = arith.constant 3 : i32
    %dma_start3A_131 = arith.constant 0 : i32
    %dma_start3A_132 = arith.constant 0 : i32
    %dma_start3A_133 = tpu.memref_slice %arg9[%dma_start3A_129, %dma_start3A_130, %dma_start3A_131, %dma_start3A_132] : memref<2x8x32x128xf32, #tpu.memory_space<vmem>> -> memref<1x1x32x128xf32, #tpu.memory_space<vmem>>
    %dma_start3A_134 = tpu.memref_squeeze %dma_start3A_133 : memref<1x1x32x128xf32, #tpu.memory_space<vmem>> -> memref<32x128xf32, #tpu.memory_space<vmem>>
    %dma_start3A_135 = arith.constant 0 : i32
    %dma_start3A_136 = tpu.memref_slice %arg4[%dma_start3A_135, %multiple_of3A_128] : memref<32x1000000xf32, #tpu.memory_space<hbm>> -> memref<32x128xf32, #tpu.memory_space<hbm>>
    %dma_start3A_137 = arith.constant 0 : i32
    %dma_start3A_138 = arith.constant 0 : i32
    %dma_start3A_139 = tpu.memref_slice %arg9[%dma_start3A_129, %dma_start3A_130, %dma_start3A_137, %dma_start3A_138] : memref<2x8x32x128xf32, #tpu.memory_space<vmem>> -> memref<1x1x32x128xf32, #tpu.memory_space<vmem>>
    %dma_start3A_140 = tpu.memref_squeeze %dma_start3A_139 : memref<1x1x32x128xf32, #tpu.memory_space<vmem>> -> memref<32x128xf32, #tpu.memory_space<vmem>>
    %dma_start3A_141 = arith.constant 0 : i32
    %dma_start3A_142 = tpu.memref_slice %arg4[%dma_start3A_141, %multiple_of3A_128] : memref<32x1000000xf32, #tpu.memory_space<hbm>> -> memref<32x128xf32, #tpu.memory_space<hbm>>
    tpu.enqueue_dma source(%dma_start3A_142 : memref<32x128xf32, #tpu.memory_space<hbm>>) target(%dma_start3A_140 : memref<32x128xf32, #tpu.memory_space<vmem>>) target_semaphore(%arg12 : memref<!tpu.dma_semaphore, #tpu.memory_space<semaphore_mem>>)
    %slice3A_143 = vector.extract_strided_slice %shift_right_logical3A_10 {offsets = [3], sizes = [1], strides = [1]} : vector<16xi32> to vector<1xi32>
    %squeeze3A_144 = vector.extract %slice3A_143[0] : i32 from vector<1xi32>
    %dma_start3A_145 = arith.constant 0 : i32
    %dma_start3A_146 = arith.constant 3 : i32
    %dma_start3A_147 = arith.constant 0 : i32
    %dma_start3A_148 = arith.constant 0 : i32
    %dma_start3A_149 = tpu.memref_slice %arg10[%dma_start3A_145, %dma_start3A_146, %dma_start3A_147, %dma_start3A_148] : memref<2x8x8x16xf32, #tpu.memory_space<vmem>> -> memref<1x1x8x16xf32, #tpu.memory_space<vmem>>
    %dma_start3A_150 = tpu.memref_squeeze %dma_start3A_149 : memref<1x1x8x16xf32, #tpu.memory_space<vmem>> -> memref<8x16xf32, #tpu.memory_space<vmem>>
    %dma_start3A_151 = arith.constant 0 : i32
    %dma_start3A_152 = arith.constant 0 : i32
    %dma_start3A_153 = tpu.memref_slice %arg5[%squeeze3A_144, %dma_start3A_151, %dma_start3A_152] : memref<12500x8x16xf32, #tpu.memory_space<hbm>> -> memref<1x8x16xf32, #tpu.memory_space<hbm>>
    %dma_start3A_154 = tpu.memref_squeeze %dma_start3A_153 : memref<1x8x16xf32, #tpu.memory_space<hbm>> -> memref<8x16xf32, #tpu.memory_space<hbm>>
    %dma_start3A_155 = arith.constant 0 : i32
    %dma_start3A_156 = arith.constant 0 : i32
    %dma_start3A_157 = tpu.memref_slice %arg10[%dma_start3A_145, %dma_start3A_146, %dma_start3A_155, %dma_start3A_156] : memref<2x8x8x16xf32, #tpu.memory_space<vmem>> -> memref<1x1x8x16xf32, #tpu.memory_space<vmem>>
    %dma_start3A_158 = tpu.memref_squeeze %dma_start3A_157 : memref<1x1x8x16xf32, #tpu.memory_space<vmem>> -> memref<8x16xf32, #tpu.memory_space<vmem>>
    %dma_start3A_159 = arith.constant 0 : i32
    %dma_start3A_160 = arith.constant 0 : i32
    %dma_start3A_161 = tpu.memref_slice %arg5[%squeeze3A_144, %dma_start3A_159, %dma_start3A_160] : memref<12500x8x16xf32, #tpu.memory_space<hbm>> -> memref<1x8x16xf32, #tpu.memory_space<hbm>>
    %dma_start3A_162 = tpu.memref_squeeze %dma_start3A_161 : memref<1x8x16xf32, #tpu.memory_space<hbm>> -> memref<8x16xf32, #tpu.memory_space<hbm>>
    tpu.enqueue_dma source(%dma_start3A_162 : memref<8x16xf32, #tpu.memory_space<hbm>>) target(%dma_start3A_158 : memref<8x16xf32, #tpu.memory_space<vmem>>) target_semaphore(%arg13 : memref<!tpu.dma_semaphore, #tpu.memory_space<semaphore_mem>>)
    %slice3A_163 = vector.extract_strided_slice %shift_right_logical3A_5 {offsets = [4], sizes = [1], strides = [1]} : vector<16xi32> to vector<1xi32>
    %squeeze3A_164 = vector.extract %slice3A_163[0] : i32 from vector<1xi32>
    %mul3A_165 = arith.constant 128 : i32
    %mul3A_166 = arith.muli %squeeze3A_164, %mul3A_165 : i32
    %multiple_of3A_167 = tpu.assume_multiple %mul3A_166, 128 : i32
    %dma_start3A_168 = arith.constant 0 : i32
    %dma_start3A_169 = arith.constant 4 : i32
    %dma_start3A_170 = arith.constant 0 : i32
    %dma_start3A_171 = arith.constant 0 : i32
    %dma_start3A_172 = tpu.memref_slice %arg9[%dma_start3A_168, %dma_start3A_169, %dma_start3A_170, %dma_start3A_171] : memref<2x8x32x128xf32, #tpu.memory_space<vmem>> -> memref<1x1x32x128xf32, #tpu.memory_space<vmem>>
    %dma_start3A_173 = tpu.memref_squeeze %dma_start3A_172 : memref<1x1x32x128xf32, #tpu.memory_space<vmem>> -> memref<32x128xf32, #tpu.memory_space<vmem>>
    %dma_start3A_174 = arith.constant 0 : i32
    %dma_start3A_175 = tpu.memref_slice %arg4[%dma_start3A_174, %multiple_of3A_167] : memref<32x1000000xf32, #tpu.memory_space<hbm>> -> memref<32x128xf32, #tpu.memory_space<hbm>>
    %dma_start3A_176 = arith.constant 0 : i32
    %dma_start3A_177 = arith.constant 0 : i32
    %dma_start3A_178 = tpu.memref_slice %arg9[%dma_start3A_168, %dma_start3A_169, %dma_start3A_176, %dma_start3A_177] : memref<2x8x32x128xf32, #tpu.memory_space<vmem>> -> memref<1x1x32x128xf32, #tpu.memory_space<vmem>>
    %dma_start3A_179 = tpu.memref_squeeze %dma_start3A_178 : memref<1x1x32x128xf32, #tpu.memory_space<vmem>> -> memref<32x128xf32, #tpu.memory_space<vmem>>
    %dma_start3A_180 = arith.constant 0 : i32
    %dma_start3A_181 = tpu.memref_slice %arg4[%dma_start3A_180, %multiple_of3A_167] : memref<32x1000000xf32, #tpu.memory_space<hbm>> -> memref<32x128xf32, #tpu.memory_space<hbm>>
    tpu.enqueue_dma source(%dma_start3A_181 : memref<32x128xf32, #tpu.memory_space<hbm>>) target(%dma_start3A_179 : memref<32x128xf32, #tpu.memory_space<vmem>>) target_semaphore(%arg12 : memref<!tpu.dma_semaphore, #tpu.memory_space<semaphore_mem>>)
    %slice3A_182 = vector.extract_strided_slice %shift_right_logical3A_10 {offsets = [4], sizes = [1], strides = [1]} : vector<16xi32> to vector<1xi32>
    %squeeze3A_183 = vector.extract %slice3A_182[0] : i32 from vector<1xi32>
    %dma_start3A_184 = arith.constant 0 : i32
    %dma_start3A_185 = arith.constant 4 : i32
    %dma_start3A_186 = arith.constant 0 : i32
    %dma_start3A_187 = arith.constant 0 : i32
    %dma_start3A_188 = tpu.memref_slice %arg10[%dma_start3A_184, %dma_start3A_185, %dma_start3A_186, %dma_start3A_187] : memref<2x8x8x16xf32, #tpu.memory_space<vmem>> -> memref<1x1x8x16xf32, #tpu.memory_space<vmem>>
    %dma_start3A_189 = tpu.memref_squeeze %dma_start3A_188 : memref<1x1x8x16xf32, #tpu.memory_space<vmem>> -> memref<8x16xf32, #tpu.memory_space<vmem>>
    %dma_start3A_190 = arith.constant 0 : i32
    %dma_start3A_191 = arith.constant 0 : i32
    %dma_start3A_192 = tpu.memref_slice %arg5[%squeeze3A_183, %dma_start3A_190, %dma_start3A_191] : memref<12500x8x16xf32, #tpu.memory_space<hbm>> -> memref<1x8x16xf32, #tpu.memory_space<hbm>>
    %dma_start3A_193 = tpu.memref_squeeze %dma_start3A_192 : memref<1x8x16xf32, #tpu.memory_space<hbm>> -> memref<8x16xf32, #tpu.memory_space<hbm>>
    %dma_start3A_194 = arith.constant 0 : i32
    %dma_start3A_195 = arith.constant 0 : i32
    %dma_start3A_196 = tpu.memref_slice %arg10[%dma_start3A_184, %dma_start3A_185, %dma_start3A_194, %dma_start3A_195] : memref<2x8x8x16xf32, #tpu.memory_space<vmem>> -> memref<1x1x8x16xf32, #tpu.memory_space<vmem>>
    %dma_start3A_197 = tpu.memref_squeeze %dma_start3A_196 : memref<1x1x8x16xf32, #tpu.memory_space<vmem>> -> memref<8x16xf32, #tpu.memory_space<vmem>>
    %dma_start3A_198 = arith.constant 0 : i32
    %dma_start3A_199 = arith.constant 0 : i32
    %dma_start3A_200 = tpu.memref_slice %arg5[%squeeze3A_183, %dma_start3A_198, %dma_start3A_199] : memref<12500x8x16xf32, #tpu.memory_space<hbm>> -> memref<1x8x16xf32, #tpu.memory_space<hbm>>
    %dma_start3A_201 = tpu.memref_squeeze %dma_start3A_200 : memref<1x8x16xf32, #tpu.memory_space<hbm>> -> memref<8x16xf32, #tpu.memory_space<hbm>>
    tpu.enqueue_dma source(%dma_start3A_201 : memref<8x16xf32, #tpu.memory_space<hbm>>) target(%dma_start3A_197 : memref<8x16xf32, #tpu.memory_space<vmem>>) target_semaphore(%arg13 : memref<!tpu.dma_semaphore, #tpu.memory_space<semaphore_mem>>)
    %slice3A_202 = vector.extract_strided_slice %shift_right_logical3A_5 {offsets = [5], sizes = [1], strides = [1]} : vector<16xi32> to vector<1xi32>
    %squeeze3A_203 = vector.extract %slice3A_202[0] : i32 from vector<1xi32>
    %mul3A_204 = arith.constant 128 : i32
    %mul3A_205 = arith.muli %squeeze3A_203, %mul3A_204 : i32
    %multiple_of3A_206 = tpu.assume_multiple %mul3A_205, 128 : i32
    %dma_start3A_207 = arith.constant 0 : i32
    %dma_start3A_208 = arith.constant 5 : i32
    %dma_start3A_209 = arith.constant 0 : i32
    %dma_start3A_210 = arith.constant 0 : i32
    %dma_start3A_211 = tpu.memref_slice %arg9[%dma_start3A_207, %dma_start3A_208, %dma_start3A_209, %dma_start3A_210] : memref<2x8x32x128xf32, #tpu.memory_space<vmem>> -> memref<1x1x32x128xf32, #tpu.memory_space<vmem>>
    %dma_start3A_212 = tpu.memref_squeeze %dma_start3A_211 : memref<1x1x32x128xf32, #tpu.memory_space<vmem>> -> memref<32x128xf32, #tpu.memory_space<vmem>>
    %dma_start3A_213 = arith.constant 0 : i32
    %dma_start3A_214 = tpu.memref_slice %arg4[%dma_start3A_213, %multiple_of3A_206] : memref<32x1000000xf32, #tpu.memory_space<hbm>> -> memref<32x128xf32, #tpu.memory_space<hbm>>
    %dma_start3A_215 = arith.constant 0 : i32
    %dma_start3A_216 = arith.constant 0 : i32
    %dma_start3A_217 = tpu.memref_slice %arg9[%dma_start3A_207, %dma_start3A_208, %dma_start3A_215, %dma_start3A_216] : memref<2x8x32x128xf32, #tpu.memory_space<vmem>> -> memref<1x1x32x128xf32, #tpu.memory_space<vmem>>
    %dma_start3A_218 = tpu.memref_squeeze %dma_start3A_217 : memref<1x1x32x128xf32, #tpu.memory_space<vmem>> -> memref<32x128xf32, #tpu.memory_space<vmem>>
    %dma_start3A_219 = arith.constant 0 : i32
    %dma_start3A_220 = tpu.memref_slice %arg4[%dma_start3A_219, %multiple_of3A_206] : memref<32x1000000xf32, #tpu.memory_space<hbm>> -> memref<32x128xf32, #tpu.memory_space<hbm>>
    tpu.enqueue_dma source(%dma_start3A_220 : memref<32x128xf32, #tpu.memory_space<hbm>>) target(%dma_start3A_218 : memref<32x128xf32, #tpu.memory_space<vmem>>) target_semaphore(%arg12 : memref<!tpu.dma_semaphore, #tpu.memory_space<semaphore_mem>>)
    %slice3A_221 = vector.extract_strided_slice %shift_right_logical3A_10 {offsets = [5], sizes = [1], strides = [1]} : vector<16xi32> to vector<1xi32>
    %squeeze3A_222 = vector.extract %slice3A_221[0] : i32 from vector<1xi32>
    %dma_start3A_223 = arith.constant 0 : i32
    %dma_start3A_224 = arith.constant 5 : i32
    %dma_start3A_225 = arith.constant 0 : i32
    %dma_start3A_226 = arith.constant 0 : i32
    %dma_start3A_227 = tpu.memref_slice %arg10[%dma_start3A_223, %dma_start3A_224, %dma_start3A_225, %dma_start3A_226] : memref<2x8x8x16xf32, #tpu.memory_space<vmem>> -> memref<1x1x8x16xf32, #tpu.memory_space<vmem>>
    %dma_start3A_228 = tpu.memref_squeeze %dma_start3A_227 : memref<1x1x8x16xf32, #tpu.memory_space<vmem>> -> memref<8x16xf32, #tpu.memory_space<vmem>>
    %dma_start3A_229 = arith.constant 0 : i32
    %dma_start3A_230 = arith.constant 0 : i32
    %dma_start3A_231 = tpu.memref_slice %arg5[%squeeze3A_222, %dma_start3A_229, %dma_start3A_230] : memref<12500x8x16xf32, #tpu.memory_space<hbm>> -> memref<1x8x16xf32, #tpu.memory_space<hbm>>
    %dma_start3A_232 = tpu.memref_squeeze %dma_start3A_231 : memref<1x8x16xf32, #tpu.memory_space<hbm>> -> memref<8x16xf32, #tpu.memory_space<hbm>>
    %dma_start3A_233 = arith.constant 0 : i32
    %dma_start3A_234 = arith.constant 0 : i32
    %dma_start3A_235 = tpu.memref_slice %arg10[%dma_start3A_223, %dma_start3A_224, %dma_start3A_233, %dma_start3A_234] : memref<2x8x8x16xf32, #tpu.memory_space<vmem>> -> memref<1x1x8x16xf32, #tpu.memory_space<vmem>>
    %dma_start3A_236 = tpu.memref_squeeze %dma_start3A_235 : memref<1x1x8x16xf32, #tpu.memory_space<vmem>> -> memref<8x16xf32, #tpu.memory_space<vmem>>
    %dma_start3A_237 = arith.constant 0 : i32
    %dma_start3A_238 = arith.constant 0 : i32
    %dma_start3A_239 = tpu.memref_slice %arg5[%squeeze3A_222, %dma_start3A_237, %dma_start3A_238] : memref<12500x8x16xf32, #tpu.memory_space<hbm>> -> memref<1x8x16xf32, #tpu.memory_space<hbm>>
    %dma_start3A_240 = tpu.memref_squeeze %dma_start3A_239 : memref<1x8x16xf32, #tpu.memory_space<hbm>> -> memref<8x16xf32, #tpu.memory_space<hbm>>
    tpu.enqueue_dma source(%dma_start3A_240 : memref<8x16xf32, #tpu.memory_space<hbm>>) target(%dma_start3A_236 : memref<8x16xf32, #tpu.memory_space<vmem>>) target_semaphore(%arg13 : memref<!tpu.dma_semaphore, #tpu.memory_space<semaphore_mem>>)
    %slice3A_241 = vector.extract_strided_slice %shift_right_logical3A_5 {offsets = [6], sizes = [1], strides = [1]} : vector<16xi32> to vector<1xi32>
    %squeeze3A_242 = vector.extract %slice3A_241[0] : i32 from vector<1xi32>
    %mul3A_243 = arith.constant 128 : i32
    %mul3A_244 = arith.muli %squeeze3A_242, %mul3A_243 : i32
    %multiple_of3A_245 = tpu.assume_multiple %mul3A_244, 128 : i32
    %dma_start3A_246 = arith.constant 0 : i32
    %dma_start3A_247 = arith.constant 6 : i32
    %dma_start3A_248 = arith.constant 0 : i32
    %dma_start3A_249 = arith.constant 0 : i32
    %dma_start3A_250 = tpu.memref_slice %arg9[%dma_start3A_246, %dma_start3A_247, %dma_start3A_248, %dma_start3A_249] : memref<2x8x32x128xf32, #tpu.memory_space<vmem>> -> memref<1x1x32x128xf32, #tpu.memory_space<vmem>>
    %dma_start3A_251 = tpu.memref_squeeze %dma_start3A_250 : memref<1x1x32x128xf32, #tpu.memory_space<vmem>> -> memref<32x128xf32, #tpu.memory_space<vmem>>
    %dma_start3A_252 = arith.constant 0 : i32
    %dma_start3A_253 = tpu.memref_slice %arg4[%dma_start3A_252, %multiple_of3A_245] : memref<32x1000000xf32, #tpu.memory_space<hbm>> -> memref<32x128xf32, #tpu.memory_space<hbm>>
    %dma_start3A_254 = arith.constant 0 : i32
    %dma_start3A_255 = arith.constant 0 : i32
    %dma_start3A_256 = tpu.memref_slice %arg9[%dma_start3A_246, %dma_start3A_247, %dma_start3A_254, %dma_start3A_255] : memref<2x8x32x128xf32, #tpu.memory_space<vmem>> -> memref<1x1x32x128xf32, #tpu.memory_space<vmem>>
    %dma_start3A_257 = tpu.memref_squeeze %dma_start3A_256 : memref<1x1x32x128xf32, #tpu.memory_space<vmem>> -> memref<32x128xf32, #tpu.memory_space<vmem>>
    %dma_start3A_258 = arith.constant 0 : i32
    %dma_start3A_259 = tpu.memref_slice %arg4[%dma_start3A_258, %multiple_of3A_245] : memref<32x1000000xf32, #tpu.memory_space<hbm>> -> memref<32x128xf32, #tpu.memory_space<hbm>>
    tpu.enqueue_dma source(%dma_start3A_259 : memref<32x128xf32, #tpu.memory_space<hbm>>) target(%dma_start3A_257 : memref<32x128xf32, #tpu.memory_space<vmem>>) target_semaphore(%arg12 : memref<!tpu.dma_semaphore, #tpu.memory_space<semaphore_mem>>)
    %slice3A_260 = vector.extract_strided_slice %shift_right_logical3A_10 {offsets = [6], sizes = [1], strides = [1]} : vector<16xi32> to vector<1xi32>
    %squeeze3A_261 = vector.extract %slice3A_260[0] : i32 from vector<1xi32>
    %dma_start3A_262 = arith.constant 0 : i32
    %dma_start3A_263 = arith.constant 6 : i32
    %dma_start3A_264 = arith.constant 0 : i32
    %dma_start3A_265 = arith.constant 0 : i32
    %dma_start3A_266 = tpu.memref_slice %arg10[%dma_start3A_262, %dma_start3A_263, %dma_start3A_264, %dma_start3A_265] : memref<2x8x8x16xf32, #tpu.memory_space<vmem>> -> memref<1x1x8x16xf32, #tpu.memory_space<vmem>>
    %dma_start3A_267 = tpu.memref_squeeze %dma_start3A_266 : memref<1x1x8x16xf32, #tpu.memory_space<vmem>> -> memref<8x16xf32, #tpu.memory_space<vmem>>
    %dma_start3A_268 = arith.constant 0 : i32
    %dma_start3A_269 = arith.constant 0 : i32
    %dma_start3A_270 = tpu.memref_slice %arg5[%squeeze3A_261, %dma_start3A_268, %dma_start3A_269] : memref<12500x8x16xf32, #tpu.memory_space<hbm>> -> memref<1x8x16xf32, #tpu.memory_space<hbm>>
    %dma_start3A_271 = tpu.memref_squeeze %dma_start3A_270 : memref<1x8x16xf32, #tpu.memory_space<hbm>> -> memref<8x16xf32, #tpu.memory_space<hbm>>
    %dma_start3A_272 = arith.constant 0 : i32
    %dma_start3A_273 = arith.constant 0 : i32
    %dma_start3A_274 = tpu.memref_slice %arg10[%dma_start3A_262, %dma_start3A_263, %dma_start3A_272, %dma_start3A_273] : memref<2x8x8x16xf32, #tpu.memory_space<vmem>> -> memref<1x1x8x16xf32, #tpu.memory_space<vmem>>
    %dma_start3A_275 = tpu.memref_squeeze %dma_start3A_274 : memref<1x1x8x16xf32, #tpu.memory_space<vmem>> -> memref<8x16xf32, #tpu.memory_space<vmem>>
    %dma_start3A_276 = arith.constant 0 : i32
    %dma_start3A_277 = arith.constant 0 : i32
    %dma_start3A_278 = tpu.memref_slice %arg5[%squeeze3A_261, %dma_start3A_276, %dma_start3A_277] : memref<12500x8x16xf32, #tpu.memory_space<hbm>> -> memref<1x8x16xf32, #tpu.memory_space<hbm>>
    %dma_start3A_279 = tpu.memref_squeeze %dma_start3A_278 : memref<1x8x16xf32, #tpu.memory_space<hbm>> -> memref<8x16xf32, #tpu.memory_space<hbm>>
    tpu.enqueue_dma source(%dma_start3A_279 : memref<8x16xf32, #tpu.memory_space<hbm>>) target(%dma_start3A_275 : memref<8x16xf32, #tpu.memory_space<vmem>>) target_semaphore(%arg13 : memref<!tpu.dma_semaphore, #tpu.memory_space<semaphore_mem>>)
    %slice3A_280 = vector.extract_strided_slice %shift_right_logical3A_5 {offsets = [7], sizes = [1], strides = [1]} : vector<16xi32> to vector<1xi32>
    %squeeze3A_281 = vector.extract %slice3A_280[0] : i32 from vector<1xi32>
    %mul3A_282 = arith.constant 128 : i32
    %mul3A_283 = arith.muli %squeeze3A_281, %mul3A_282 : i32
    %multiple_of3A_284 = tpu.assume_multiple %mul3A_283, 128 : i32
    %dma_start3A_285 = arith.constant 0 : i32
    %dma_start3A_286 = arith.constant 7 : i32
    %dma_start3A_287 = arith.constant 0 : i32
    %dma_start3A_288 = arith.constant 0 : i32
    %dma_start3A_289 = tpu.memref_slice %arg9[%dma_start3A_285, %dma_start3A_286, %dma_start3A_287, %dma_start3A_288] : memref<2x8x32x128xf32, #tpu.memory_space<vmem>> -> memref<1x1x32x128xf32, #tpu.memory_space<vmem>>
    %dma_start3A_290 = tpu.memref_squeeze %dma_start3A_289 : memref<1x1x32x128xf32, #tpu.memory_space<vmem>> -> memref<32x128xf32, #tpu.memory_space<vmem>>
    %dma_start3A_291 = arith.constant 0 : i32
    %dma_start3A_292 = tpu.memref_slice %arg4[%dma_start3A_291, %multiple_of3A_284] : memref<32x1000000xf32, #tpu.memory_space<hbm>> -> memref<32x128xf32, #tpu.memory_space<hbm>>
    %dma_start3A_293 = arith.constant 0 : i32
    %dma_start3A_294 = arith.constant 0 : i32
    %dma_start3A_295 = tpu.memref_slice %arg9[%dma_start3A_285, %dma_start3A_286, %dma_start3A_293, %dma_start3A_294] : memref<2x8x32x128xf32, #tpu.memory_space<vmem>> -> memref<1x1x32x128xf32, #tpu.memory_space<vmem>>
    %dma_start3A_296 = tpu.memref_squeeze %dma_start3A_295 : memref<1x1x32x128xf32, #tpu.memory_space<vmem>> -> memref<32x128xf32, #tpu.memory_space<vmem>>
    %dma_start3A_297 = arith.constant 0 : i32
    %dma_start3A_298 = tpu.memref_slice %arg4[%dma_start3A_297, %multiple_of3A_284] : memref<32x1000000xf32, #tpu.memory_space<hbm>> -> memref<32x128xf32, #tpu.memory_space<hbm>>
    tpu.enqueue_dma source(%dma_start3A_298 : memref<32x128xf32, #tpu.memory_space<hbm>>) target(%dma_start3A_296 : memref<32x128xf32, #tpu.memory_space<vmem>>) target_semaphore(%arg12 : memref<!tpu.dma_semaphore, #tpu.memory_space<semaphore_mem>>)
    %slice3A_299 = vector.extract_strided_slice %shift_right_logical3A_10 {offsets = [7], sizes = [1], strides = [1]} : vector<16xi32> to vector<1xi32>
    %squeeze3A_300 = vector.extract %slice3A_299[0] : i32 from vector<1xi32>
    %dma_start3A_301 = arith.constant 0 : i32
    %dma_start3A_302 = arith.constant 7 : i32
    %dma_start3A_303 = arith.constant 0 : i32
    %dma_start3A_304 = arith.constant 0 : i32
    %dma_start3A_305 = tpu.memref_slice %arg10[%dma_start3A_301, %dma_start3A_302, %dma_start3A_303, %dma_start3A_304] : memref<2x8x8x16xf32, #tpu.memory_space<vmem>> -> memref<1x1x8x16xf32, #tpu.memory_space<vmem>>
    %dma_start3A_306 = tpu.memref_squeeze %dma_start3A_305 : memref<1x1x8x16xf32, #tpu.memory_space<vmem>> -> memref<8x16xf32, #tpu.memory_space<vmem>>
    %dma_start3A_307 = arith.constant 0 : i32
    %dma_start3A_308 = arith.constant 0 : i32
    %dma_start3A_309 = tpu.memref_slice %arg5[%squeeze3A_300, %dma_start3A_307, %dma_start3A_308] : memref<12500x8x16xf32, #tpu.memory_space<hbm>> -> memref<1x8x16xf32, #tpu.memory_space<hbm>>
    %dma_start3A_310 = tpu.memref_squeeze %dma_start3A_309 : memref<1x8x16xf32, #tpu.memory_space<hbm>> -> memref<8x16xf32, #tpu.memory_space<hbm>>
    %dma_start3A_311 = arith.constant 0 : i32
    %dma_start3A_312 = arith.constant 0 : i32
    %dma_start3A_313 = tpu.memref_slice %arg10[%dma_start3A_301, %dma_start3A_302, %dma_start3A_311, %dma_start3A_312] : memref<2x8x8x16xf32, #tpu.memory_space<vmem>> -> memref<1x1x8x16xf32, #tpu.memory_space<vmem>>
    %dma_start3A_314 = tpu.memref_squeeze %dma_start3A_313 : memref<1x1x8x16xf32, #tpu.memory_space<vmem>> -> memref<8x16xf32, #tpu.memory_space<vmem>>
    %dma_start3A_315 = arith.constant 0 : i32
    %dma_start3A_316 = arith.constant 0 : i32
    %dma_start3A_317 = tpu.memref_slice %arg5[%squeeze3A_300, %dma_start3A_315, %dma_start3A_316] : memref<12500x8x16xf32, #tpu.memory_space<hbm>> -> memref<1x8x16xf32, #tpu.memory_space<hbm>>
    %dma_start3A_318 = tpu.memref_squeeze %dma_start3A_317 : memref<1x8x16xf32, #tpu.memory_space<hbm>> -> memref<8x16xf32, #tpu.memory_space<hbm>>
    tpu.enqueue_dma source(%dma_start3A_318 : memref<8x16xf32, #tpu.memory_space<hbm>>) target(%dma_start3A_314 : memref<8x16xf32, #tpu.memory_space<vmem>>) target_semaphore(%arg13 : memref<!tpu.dma_semaphore, #tpu.memory_space<semaphore_mem>>)
    %scan3A = arith.constant 0 : i32
    %scan3A_319 = arith.constant 64 : i32
    %scan3A_320 = arith.addi %scan3A, %scan3A_319 : i32
    %scan3A_321 = arith.constant 1 : i32
    scf.for %scan3A_348 = %scan3A to %scan3A_320 step %scan3A_321  : i32 {
      %mul3A_349 = arith.constant 1 : i32
      %mul3A_350 = arith.muli %scan3A_348, %mul3A_349 : i32
      %add3A_351 = arith.constant 0 : i32
      %add3A_352 = arith.addi %add3A_351, %mul3A_350 : i32
      %and3A = arith.constant 1 : i32
      %and3A_353 = arith.andi %add3A_352, %and3A : i32
      %add3A_354 = arith.constant 1 : i32
      %add3A_355 = arith.addi %add3A_352, %add3A_354 : i32
      %and3A_356 = arith.constant 1 : i32
      %and3A_357 = arith.andi %add3A_355, %and3A_356 : i32
      %add3A_358 = arith.constant 1 : i32
      %add3A_359 = arith.addi %add3A_352, %add3A_358 : i32
      %lt3A = arith.constant 64 : i32
      %lt3A_360 = arith.cmpi slt, %add3A_359, %lt3A : i32
      %convert_element_type3A = arith.extui %lt3A_360 : i1 to i32
      %cond3A = arith.constant 0 : i32
      %cond3A_361 = arith.cmpi ne, %convert_element_type3A, %cond3A : i32
      scf.if %cond3A_361 {
        %add3A_858 = arith.constant 1 : i32
        %add3A_859 = arith.addi %add3A_352, %add3A_858 : i32
        %mul3A_860 = arith.constant 8 : i32
        %mul3A_861 = arith.muli %add3A_859, %mul3A_860 : i32
        %get3A_862 = arith.index_cast %mul3A_861 : i32 to index
        %get3A_863 = tpu.vector_load %arg7[%get3A_862] {strides = array<i32>} : memref<520xi32, #tpu.memory_space<vmem>>, vector<16xi32>,
        %shift_right_logical3A_864 = arith.constant 7 : i32
        %shift_right_logical3A_865 = vector.broadcast %shift_right_logical3A_864 : i32 to vector<16xi32>
        %shift_right_logical3A_866 = arith.shrui %get3A_863, %shift_right_logical3A_865 : vector<16xi32>
        %mul3A_867 = arith.constant 8 : i32
        %mul3A_868 = arith.muli %add3A_859, %mul3A_867 : i32
        %get3A_869 = arith.index_cast %mul3A_868 : i32 to index
        %get3A_870 = tpu.vector_load %arg8[%get3A_869] {strides = array<i32>} : memref<520xi32, #tpu.memory_space<vmem>>, vector<16xi32>,
        %shift_right_logical3A_871 = arith.constant 3 : i32
        %shift_right_logical3A_872 = vector.broadcast %shift_right_logical3A_871 : i32 to vector<16xi32>
        %shift_right_logical3A_873 = arith.shrui %get3A_870, %shift_right_logical3A_872 : vector<16xi32>
        %slice3A_874 = vector.extract_strided_slice %shift_right_logical3A_866 {offsets = [0], sizes = [1], strides = [1]} : vector<16xi32> to vector<1xi32>
        %squeeze3A_875 = vector.extract %slice3A_874[0] : i32 from vector<1xi32>
        %mul3A_876 = arith.constant 128 : i32
        %mul3A_877 = arith.muli %squeeze3A_875, %mul3A_876 : i32
        %multiple_of3A_878 = tpu.assume_multiple %mul3A_877, 128 : i32
        %dma_start3A_879 = arith.constant 0 : i32
        %dma_start3A_880 = arith.constant 0 : i32
        %dma_start3A_881 = arith.constant 0 : i32
        %dma_start3A_882 = tpu.memref_slice %arg9[%and3A_357, %dma_start3A_879, %dma_start3A_880, %dma_start3A_881] : memref<2x8x32x128xf32, #tpu.memory_space<vmem>> -> memref<1x1x32x128xf32, #tpu.memory_space<vmem>>
        %dma_start3A_883 = tpu.memref_squeeze %dma_start3A_882 : memref<1x1x32x128xf32, #tpu.memory_space<vmem>> -> memref<32x128xf32, #tpu.memory_space<vmem>>
        %dma_start3A_884 = arith.constant 0 : i32
        %dma_start3A_885 = tpu.memref_slice %arg4[%dma_start3A_884, %multiple_of3A_878] : memref<32x1000000xf32, #tpu.memory_space<hbm>> -> memref<32x128xf32, #tpu.memory_space<hbm>>
        %dma_start3A_886 = arith.constant 0 : i32
        %dma_start3A_887 = arith.constant 0 : i32
        %dma_start3A_888 = tpu.memref_slice %arg9[%and3A_357, %dma_start3A_879, %dma_start3A_886, %dma_start3A_887] : memref<2x8x32x128xf32, #tpu.memory_space<vmem>> -> memref<1x1x32x128xf32, #tpu.memory_space<vmem>>
        %dma_start3A_889 = tpu.memref_squeeze %dma_start3A_888 : memref<1x1x32x128xf32, #tpu.memory_space<vmem>> -> memref<32x128xf32, #tpu.memory_space<vmem>>
        %dma_start3A_890 = arith.constant 0 : i32
        %dma_start3A_891 = tpu.memref_slice %arg4[%dma_start3A_890, %multiple_of3A_878] : memref<32x1000000xf32, #tpu.memory_space<hbm>> -> memref<32x128xf32, #tpu.memory_space<hbm>>
        tpu.enqueue_dma source(%dma_start3A_891 : memref<32x128xf32, #tpu.memory_space<hbm>>) target(%dma_start3A_889 : memref<32x128xf32, #tpu.memory_space<vmem>>) target_semaphore(%arg12 : memref<!tpu.dma_semaphore, #tpu.memory_space<semaphore_mem>>)
        %slice3A_892 = vector.extract_strided_slice %shift_right_logical3A_873 {offsets = [0], sizes = [1], strides = [1]} : vector<16xi32> to vector<1xi32>
        %squeeze3A_893 = vector.extract %slice3A_892[0] : i32 from vector<1xi32>
        %dma_start3A_894 = arith.constant 0 : i32
        %dma_start3A_895 = arith.constant 0 : i32
        %dma_start3A_896 = arith.constant 0 : i32
        %dma_start3A_897 = tpu.memref_slice %arg10[%and3A_357, %dma_start3A_894, %dma_start3A_895, %dma_start3A_896] : memref<2x8x8x16xf32, #tpu.memory_space<vmem>> -> memref<1x1x8x16xf32, #tpu.memory_space<vmem>>
        %dma_start3A_898 = tpu.memref_squeeze %dma_start3A_897 : memref<1x1x8x16xf32, #tpu.memory_space<vmem>> -> memref<8x16xf32, #tpu.memory_space<vmem>>
        %dma_start3A_899 = arith.constant 0 : i32
        %dma_start3A_900 = arith.constant 0 : i32
        %dma_start3A_901 = tpu.memref_slice %arg5[%squeeze3A_893, %dma_start3A_899, %dma_start3A_900] : memref<12500x8x16xf32, #tpu.memory_space<hbm>> -> memref<1x8x16xf32, #tpu.memory_space<hbm>>
        %dma_start3A_902 = tpu.memref_squeeze %dma_start3A_901 : memref<1x8x16xf32, #tpu.memory_space<hbm>> -> memref<8x16xf32, #tpu.memory_space<hbm>>
        %dma_start3A_903 = arith.constant 0 : i32
        %dma_start3A_904 = arith.constant 0 : i32
        %dma_start3A_905 = tpu.memref_slice %arg10[%and3A_357, %dma_start3A_894, %dma_start3A_903, %dma_start3A_904] : memref<2x8x8x16xf32, #tpu.memory_space<vmem>> -> memref<1x1x8x16xf32, #tpu.memory_space<vmem>>
        %dma_start3A_906 = tpu.memref_squeeze %dma_start3A_905 : memref<1x1x8x16xf32, #tpu.memory_space<vmem>> -> memref<8x16xf32, #tpu.memory_space<vmem>>
        %dma_start3A_907 = arith.constant 0 : i32
        %dma_start3A_908 = arith.constant 0 : i32
        %dma_start3A_909 = tpu.memref_slice %arg5[%squeeze3A_893, %dma_start3A_907, %dma_start3A_908] : memref<12500x8x16xf32, #tpu.memory_space<hbm>> -> memref<1x8x16xf32, #tpu.memory_space<hbm>>
        %dma_start3A_910 = tpu.memref_squeeze %dma_start3A_909 : memref<1x8x16xf32, #tpu.memory_space<hbm>> -> memref<8x16xf32, #tpu.memory_space<hbm>>
        tpu.enqueue_dma source(%dma_start3A_910 : memref<8x16xf32, #tpu.memory_space<hbm>>) target(%dma_start3A_906 : memref<8x16xf32, #tpu.memory_space<vmem>>) target_semaphore(%arg13 : memref<!tpu.dma_semaphore, #tpu.memory_space<semaphore_mem>>)
        %slice3A_911 = vector.extract_strided_slice %shift_right_logical3A_866 {offsets = [1], sizes = [1], strides = [1]} : vector<16xi32> to vector<1xi32>
        %squeeze3A_912 = vector.extract %slice3A_911[0] : i32 from vector<1xi32>
        %mul3A_913 = arith.constant 128 : i32
        %mul3A_914 = arith.muli %squeeze3A_912, %mul3A_913 : i32
        %multiple_of3A_915 = tpu.assume_multiple %mul3A_914, 128 : i32
        %dma_start3A_916 = arith.constant 1 : i32
        %dma_start3A_917 = arith.constant 0 : i32
        %dma_start3A_918 = arith.constant 0 : i32
        %dma_start3A_919 = tpu.memref_slice %arg9[%and3A_357, %dma_start3A_916, %dma_start3A_917, %dma_start3A_918] : memref<2x8x32x128xf32, #tpu.memory_space<vmem>> -> memref<1x1x32x128xf32, #tpu.memory_space<vmem>>
        %dma_start3A_920 = tpu.memref_squeeze %dma_start3A_919 : memref<1x1x32x128xf32, #tpu.memory_space<vmem>> -> memref<32x128xf32, #tpu.memory_space<vmem>>
        %dma_start3A_921 = arith.constant 0 : i32
        %dma_start3A_922 = tpu.memref_slice %arg4[%dma_start3A_921, %multiple_of3A_915] : memref<32x1000000xf32, #tpu.memory_space<hbm>> -> memref<32x128xf32, #tpu.memory_space<hbm>>
        %dma_start3A_923 = arith.constant 0 : i32
        %dma_start3A_924 = arith.constant 0 : i32
        %dma_start3A_925 = tpu.memref_slice %arg9[%and3A_357, %dma_start3A_916, %dma_start3A_923, %dma_start3A_924] : memref<2x8x32x128xf32, #tpu.memory_space<vmem>> -> memref<1x1x32x128xf32, #tpu.memory_space<vmem>>
        %dma_start3A_926 = tpu.memref_squeeze %dma_start3A_925 : memref<1x1x32x128xf32, #tpu.memory_space<vmem>> -> memref<32x128xf32, #tpu.memory_space<vmem>>
        %dma_start3A_927 = arith.constant 0 : i32
        %dma_start3A_928 = tpu.memref_slice %arg4[%dma_start3A_927, %multiple_of3A_915] : memref<32x1000000xf32, #tpu.memory_space<hbm>> -> memref<32x128xf32, #tpu.memory_space<hbm>>
        tpu.enqueue_dma source(%dma_start3A_928 : memref<32x128xf32, #tpu.memory_space<hbm>>) target(%dma_start3A_926 : memref<32x128xf32, #tpu.memory_space<vmem>>) target_semaphore(%arg12 : memref<!tpu.dma_semaphore, #tpu.memory_space<semaphore_mem>>)
        %slice3A_929 = vector.extract_strided_slice %shift_right_logical3A_873 {offsets = [1], sizes = [1], strides = [1]} : vector<16xi32> to vector<1xi32>
        %squeeze3A_930 = vector.extract %slice3A_929[0] : i32 from vector<1xi32>
        %dma_start3A_931 = arith.constant 1 : i32
        %dma_start3A_932 = arith.constant 0 : i32
        %dma_start3A_933 = arith.constant 0 : i32
        %dma_start3A_934 = tpu.memref_slice %arg10[%and3A_357, %dma_start3A_931, %dma_start3A_932, %dma_start3A_933] : memref<2x8x8x16xf32, #tpu.memory_space<vmem>> -> memref<1x1x8x16xf32, #tpu.memory_space<vmem>>
        %dma_start3A_935 = tpu.memref_squeeze %dma_start3A_934 : memref<1x1x8x16xf32, #tpu.memory_space<vmem>> -> memref<8x16xf32, #tpu.memory_space<vmem>>
        %dma_start3A_936 = arith.constant 0 : i32
        %dma_start3A_937 = arith.constant 0 : i32
        %dma_start3A_938 = tpu.memref_slice %arg5[%squeeze3A_930, %dma_start3A_936, %dma_start3A_937] : memref<12500x8x16xf32, #tpu.memory_space<hbm>> -> memref<1x8x16xf32, #tpu.memory_space<hbm>>
        %dma_start3A_939 = tpu.memref_squeeze %dma_start3A_938 : memref<1x8x16xf32, #tpu.memory_space<hbm>> -> memref<8x16xf32, #tpu.memory_space<hbm>>
        %dma_start3A_940 = arith.constant 0 : i32
        %dma_start3A_941 = arith.constant 0 : i32
        %dma_start3A_942 = tpu.memref_slice %arg10[%and3A_357, %dma_start3A_931, %dma_start3A_940, %dma_start3A_941] : memref<2x8x8x16xf32, #tpu.memory_space<vmem>> -> memref<1x1x8x16xf32, #tpu.memory_space<vmem>>
        %dma_start3A_943 = tpu.memref_squeeze %dma_start3A_942 : memref<1x1x8x16xf32, #tpu.memory_space<vmem>> -> memref<8x16xf32, #tpu.memory_space<vmem>>
        %dma_start3A_944 = arith.constant 0 : i32
        %dma_start3A_945 = arith.constant 0 : i32
        %dma_start3A_946 = tpu.memref_slice %arg5[%squeeze3A_930, %dma_start3A_944, %dma_start3A_945] : memref<12500x8x16xf32, #tpu.memory_space<hbm>> -> memref<1x8x16xf32, #tpu.memory_space<hbm>>
        %dma_start3A_947 = tpu.memref_squeeze %dma_start3A_946 : memref<1x8x16xf32, #tpu.memory_space<hbm>> -> memref<8x16xf32, #tpu.memory_space<hbm>>
        tpu.enqueue_dma source(%dma_start3A_947 : memref<8x16xf32, #tpu.memory_space<hbm>>) target(%dma_start3A_943 : memref<8x16xf32, #tpu.memory_space<vmem>>) target_semaphore(%arg13 : memref<!tpu.dma_semaphore, #tpu.memory_space<semaphore_mem>>)
        %slice3A_948 = vector.extract_strided_slice %shift_right_logical3A_866 {offsets = [2], sizes = [1], strides = [1]} : vector<16xi32> to vector<1xi32>
        %squeeze3A_949 = vector.extract %slice3A_948[0] : i32 from vector<1xi32>
        %mul3A_950 = arith.constant 128 : i32
        %mul3A_951 = arith.muli %squeeze3A_949, %mul3A_950 : i32
        %multiple_of3A_952 = tpu.assume_multiple %mul3A_951, 128 : i32
        %dma_start3A_953 = arith.constant 2 : i32
        %dma_start3A_954 = arith.constant 0 : i32
        %dma_start3A_955 = arith.constant 0 : i32
        %dma_start3A_956 = tpu.memref_slice %arg9[%and3A_357, %dma_start3A_953, %dma_start3A_954, %dma_start3A_955] : memref<2x8x32x128xf32, #tpu.memory_space<vmem>> -> memref<1x1x32x128xf32, #tpu.memory_space<vmem>>
        %dma_start3A_957 = tpu.memref_squeeze %dma_start3A_956 : memref<1x1x32x128xf32, #tpu.memory_space<vmem>> -> memref<32x128xf32, #tpu.memory_space<vmem>>
        %dma_start3A_958 = arith.constant 0 : i32
        %dma_start3A_959 = tpu.memref_slice %arg4[%dma_start3A_958, %multiple_of3A_952] : memref<32x1000000xf32, #tpu.memory_space<hbm>> -> memref<32x128xf32, #tpu.memory_space<hbm>>
        %dma_start3A_960 = arith.constant 0 : i32
        %dma_start3A_961 = arith.constant 0 : i32
        %dma_start3A_962 = tpu.memref_slice %arg9[%and3A_357, %dma_start3A_953, %dma_start3A_960, %dma_start3A_961] : memref<2x8x32x128xf32, #tpu.memory_space<vmem>> -> memref<1x1x32x128xf32, #tpu.memory_space<vmem>>
        %dma_start3A_963 = tpu.memref_squeeze %dma_start3A_962 : memref<1x1x32x128xf32, #tpu.memory_space<vmem>> -> memref<32x128xf32, #tpu.memory_space<vmem>>
        %dma_start3A_964 = arith.constant 0 : i32
        %dma_start3A_965 = tpu.memref_slice %arg4[%dma_start3A_964, %multiple_of3A_952] : memref<32x1000000xf32, #tpu.memory_space<hbm>> -> memref<32x128xf32, #tpu.memory_space<hbm>>
        tpu.enqueue_dma source(%dma_start3A_965 : memref<32x128xf32, #tpu.memory_space<hbm>>) target(%dma_start3A_963 : memref<32x128xf32, #tpu.memory_space<vmem>>) target_semaphore(%arg12 : memref<!tpu.dma_semaphore, #tpu.memory_space<semaphore_mem>>)
        %slice3A_966 = vector.extract_strided_slice %shift_right_logical3A_873 {offsets = [2], sizes = [1], strides = [1]} : vector<16xi32> to vector<1xi32>
        %squeeze3A_967 = vector.extract %slice3A_966[0] : i32 from vector<1xi32>
        %dma_start3A_968 = arith.constant 2 : i32
        %dma_start3A_969 = arith.constant 0 : i32
        %dma_start3A_970 = arith.constant 0 : i32
        %dma_start3A_971 = tpu.memref_slice %arg10[%and3A_357, %dma_start3A_968, %dma_start3A_969, %dma_start3A_970] : memref<2x8x8x16xf32, #tpu.memory_space<vmem>> -> memref<1x1x8x16xf32, #tpu.memory_space<vmem>>
        %dma_start3A_972 = tpu.memref_squeeze %dma_start3A_971 : memref<1x1x8x16xf32, #tpu.memory_space<vmem>> -> memref<8x16xf32, #tpu.memory_space<vmem>>
        %dma_start3A_973 = arith.constant 0 : i32
        %dma_start3A_974 = arith.constant 0 : i32
        %dma_start3A_975 = tpu.memref_slice %arg5[%squeeze3A_967, %dma_start3A_973, %dma_start3A_974] : memref<12500x8x16xf32, #tpu.memory_space<hbm>> -> memref<1x8x16xf32, #tpu.memory_space<hbm>>
        %dma_start3A_976 = tpu.memref_squeeze %dma_start3A_975 : memref<1x8x16xf32, #tpu.memory_space<hbm>> -> memref<8x16xf32, #tpu.memory_space<hbm>>
        %dma_start3A_977 = arith.constant 0 : i32
        %dma_start3A_978 = arith.constant 0 : i32
        %dma_start3A_979 = tpu.memref_slice %arg10[%and3A_357, %dma_start3A_968, %dma_start3A_977, %dma_start3A_978] : memref<2x8x8x16xf32, #tpu.memory_space<vmem>> -> memref<1x1x8x16xf32, #tpu.memory_space<vmem>>
        %dma_start3A_980 = tpu.memref_squeeze %dma_start3A_979 : memref<1x1x8x16xf32, #tpu.memory_space<vmem>> -> memref<8x16xf32, #tpu.memory_space<vmem>>
        %dma_start3A_981 = arith.constant 0 : i32
        %dma_start3A_982 = arith.constant 0 : i32
        %dma_start3A_983 = tpu.memref_slice %arg5[%squeeze3A_967, %dma_start3A_981, %dma_start3A_982] : memref<12500x8x16xf32, #tpu.memory_space<hbm>> -> memref<1x8x16xf32, #tpu.memory_space<hbm>>
        %dma_start3A_984 = tpu.memref_squeeze %dma_start3A_983 : memref<1x8x16xf32, #tpu.memory_space<hbm>> -> memref<8x16xf32, #tpu.memory_space<hbm>>
        tpu.enqueue_dma source(%dma_start3A_984 : memref<8x16xf32, #tpu.memory_space<hbm>>) target(%dma_start3A_980 : memref<8x16xf32, #tpu.memory_space<vmem>>) target_semaphore(%arg13 : memref<!tpu.dma_semaphore, #tpu.memory_space<semaphore_mem>>)
        %slice3A_985 = vector.extract_strided_slice %shift_right_logical3A_866 {offsets = [3], sizes = [1], strides = [1]} : vector<16xi32> to vector<1xi32>
        %squeeze3A_986 = vector.extract %slice3A_985[0] : i32 from vector<1xi32>
        %mul3A_987 = arith.constant 128 : i32
        %mul3A_988 = arith.muli %squeeze3A_986, %mul3A_987 : i32
        %multiple_of3A_989 = tpu.assume_multiple %mul3A_988, 128 : i32
        %dma_start3A_990 = arith.constant 3 : i32
        %dma_start3A_991 = arith.constant 0 : i32
        %dma_start3A_992 = arith.constant 0 : i32
        %dma_start3A_993 = tpu.memref_slice %arg9[%and3A_357, %dma_start3A_990, %dma_start3A_991, %dma_start3A_992] : memref<2x8x32x128xf32, #tpu.memory_space<vmem>> -> memref<1x1x32x128xf32, #tpu.memory_space<vmem>>
        %dma_start3A_994 = tpu.memref_squeeze %dma_start3A_993 : memref<1x1x32x128xf32, #tpu.memory_space<vmem>> -> memref<32x128xf32, #tpu.memory_space<vmem>>
        %dma_start3A_995 = arith.constant 0 : i32
        %dma_start3A_996 = tpu.memref_slice %arg4[%dma_start3A_995, %multiple_of3A_989] : memref<32x1000000xf32, #tpu.memory_space<hbm>> -> memref<32x128xf32, #tpu.memory_space<hbm>>
        %dma_start3A_997 = arith.constant 0 : i32
        %dma_start3A_998 = arith.constant 0 : i32
        %dma_start3A_999 = tpu.memref_slice %arg9[%and3A_357, %dma_start3A_990, %dma_start3A_997, %dma_start3A_998] : memref<2x8x32x128xf32, #tpu.memory_space<vmem>> -> memref<1x1x32x128xf32, #tpu.memory_space<vmem>>
        %dma_start3A_1000 = tpu.memref_squeeze %dma_start3A_999 : memref<1x1x32x128xf32, #tpu.memory_space<vmem>> -> memref<32x128xf32, #tpu.memory_space<vmem>>
        %dma_start3A_1001 = arith.constant 0 : i32
        %dma_start3A_1002 = tpu.memref_slice %arg4[%dma_start3A_1001, %multiple_of3A_989] : memref<32x1000000xf32, #tpu.memory_space<hbm>> -> memref<32x128xf32, #tpu.memory_space<hbm>>
        tpu.enqueue_dma source(%dma_start3A_1002 : memref<32x128xf32, #tpu.memory_space<hbm>>) target(%dma_start3A_1000 : memref<32x128xf32, #tpu.memory_space<vmem>>) target_semaphore(%arg12 : memref<!tpu.dma_semaphore, #tpu.memory_space<semaphore_mem>>)
        %slice3A_1003 = vector.extract_strided_slice %shift_right_logical3A_873 {offsets = [3], sizes = [1], strides = [1]} : vector<16xi32> to vector<1xi32>
        %squeeze3A_1004 = vector.extract %slice3A_1003[0] : i32 from vector<1xi32>
        %dma_start3A_1005 = arith.constant 3 : i32
        %dma_start3A_1006 = arith.constant 0 : i32
        %dma_start3A_1007 = arith.constant 0 : i32
        %dma_start3A_1008 = tpu.memref_slice %arg10[%and3A_357, %dma_start3A_1005, %dma_start3A_1006, %dma_start3A_1007] : memref<2x8x8x16xf32, #tpu.memory_space<vmem>> -> memref<1x1x8x16xf32, #tpu.memory_space<vmem>>
        %dma_start3A_1009 = tpu.memref_squeeze %dma_start3A_1008 : memref<1x1x8x16xf32, #tpu.memory_space<vmem>> -> memref<8x16xf32, #tpu.memory_space<vmem>>
        %dma_start3A_1010 = arith.constant 0 : i32
        %dma_start3A_1011 = arith.constant 0 : i32
        %dma_start3A_1012 = tpu.memref_slice %arg5[%squeeze3A_1004, %dma_start3A_1010, %dma_start3A_1011] : memref<12500x8x16xf32, #tpu.memory_space<hbm>> -> memref<1x8x16xf32, #tpu.memory_space<hbm>>
        %dma_start3A_1013 = tpu.memref_squeeze %dma_start3A_1012 : memref<1x8x16xf32, #tpu.memory_space<hbm>> -> memref<8x16xf32, #tpu.memory_space<hbm>>
        %dma_start3A_1014 = arith.constant 0 : i32
        %dma_start3A_1015 = arith.constant 0 : i32
        %dma_start3A_1016 = tpu.memref_slice %arg10[%and3A_357, %dma_start3A_1005, %dma_start3A_1014, %dma_start3A_1015] : memref<2x8x8x16xf32, #tpu.memory_space<vmem>> -> memref<1x1x8x16xf32, #tpu.memory_space<vmem>>
        %dma_start3A_1017 = tpu.memref_squeeze %dma_start3A_1016 : memref<1x1x8x16xf32, #tpu.memory_space<vmem>> -> memref<8x16xf32, #tpu.memory_space<vmem>>
        %dma_start3A_1018 = arith.constant 0 : i32
        %dma_start3A_1019 = arith.constant 0 : i32
        %dma_start3A_1020 = tpu.memref_slice %arg5[%squeeze3A_1004, %dma_start3A_1018, %dma_start3A_1019] : memref<12500x8x16xf32, #tpu.memory_space<hbm>> -> memref<1x8x16xf32, #tpu.memory_space<hbm>>
        %dma_start3A_1021 = tpu.memref_squeeze %dma_start3A_1020 : memref<1x8x16xf32, #tpu.memory_space<hbm>> -> memref<8x16xf32, #tpu.memory_space<hbm>>
        tpu.enqueue_dma source(%dma_start3A_1021 : memref<8x16xf32, #tpu.memory_space<hbm>>) target(%dma_start3A_1017 : memref<8x16xf32, #tpu.memory_space<vmem>>) target_semaphore(%arg13 : memref<!tpu.dma_semaphore, #tpu.memory_space<semaphore_mem>>)
        %slice3A_1022 = vector.extract_strided_slice %shift_right_logical3A_866 {offsets = [4], sizes = [1], strides = [1]} : vector<16xi32> to vector<1xi32>
        %squeeze3A_1023 = vector.extract %slice3A_1022[0] : i32 from vector<1xi32>
        %mul3A_1024 = arith.constant 128 : i32
        %mul3A_1025 = arith.muli %squeeze3A_1023, %mul3A_1024 : i32
        %multiple_of3A_1026 = tpu.assume_multiple %mul3A_1025, 128 : i32
        %dma_start3A_1027 = arith.constant 4 : i32
        %dma_start3A_1028 = arith.constant 0 : i32
        %dma_start3A_1029 = arith.constant 0 : i32
        %dma_start3A_1030 = tpu.memref_slice %arg9[%and3A_357, %dma_start3A_1027, %dma_start3A_1028, %dma_start3A_1029] : memref<2x8x32x128xf32, #tpu.memory_space<vmem>> -> memref<1x1x32x128xf32, #tpu.memory_space<vmem>>
        %dma_start3A_1031 = tpu.memref_squeeze %dma_start3A_1030 : memref<1x1x32x128xf32, #tpu.memory_space<vmem>> -> memref<32x128xf32, #tpu.memory_space<vmem>>
        %dma_start3A_1032 = arith.constant 0 : i32
        %dma_start3A_1033 = tpu.memref_slice %arg4[%dma_start3A_1032, %multiple_of3A_1026] : memref<32x1000000xf32, #tpu.memory_space<hbm>> -> memref<32x128xf32, #tpu.memory_space<hbm>>
        %dma_start3A_1034 = arith.constant 0 : i32
        %dma_start3A_1035 = arith.constant 0 : i32
        %dma_start3A_1036 = tpu.memref_slice %arg9[%and3A_357, %dma_start3A_1027, %dma_start3A_1034, %dma_start3A_1035] : memref<2x8x32x128xf32, #tpu.memory_space<vmem>> -> memref<1x1x32x128xf32, #tpu.memory_space<vmem>>
        %dma_start3A_1037 = tpu.memref_squeeze %dma_start3A_1036 : memref<1x1x32x128xf32, #tpu.memory_space<vmem>> -> memref<32x128xf32, #tpu.memory_space<vmem>>
        %dma_start3A_1038 = arith.constant 0 : i32
        %dma_start3A_1039 = tpu.memref_slice %arg4[%dma_start3A_1038, %multiple_of3A_1026] : memref<32x1000000xf32, #tpu.memory_space<hbm>> -> memref<32x128xf32, #tpu.memory_space<hbm>>
        tpu.enqueue_dma source(%dma_start3A_1039 : memref<32x128xf32, #tpu.memory_space<hbm>>) target(%dma_start3A_1037 : memref<32x128xf32, #tpu.memory_space<vmem>>) target_semaphore(%arg12 : memref<!tpu.dma_semaphore, #tpu.memory_space<semaphore_mem>>)
        %slice3A_1040 = vector.extract_strided_slice %shift_right_logical3A_873 {offsets = [4], sizes = [1], strides = [1]} : vector<16xi32> to vector<1xi32>
        %squeeze3A_1041 = vector.extract %slice3A_1040[0] : i32 from vector<1xi32>
        %dma_start3A_1042 = arith.constant 4 : i32
        %dma_start3A_1043 = arith.constant 0 : i32
        %dma_start3A_1044 = arith.constant 0 : i32
        %dma_start3A_1045 = tpu.memref_slice %arg10[%and3A_357, %dma_start3A_1042, %dma_start3A_1043, %dma_start3A_1044] : memref<2x8x8x16xf32, #tpu.memory_space<vmem>> -> memref<1x1x8x16xf32, #tpu.memory_space<vmem>>
        %dma_start3A_1046 = tpu.memref_squeeze %dma_start3A_1045 : memref<1x1x8x16xf32, #tpu.memory_space<vmem>> -> memref<8x16xf32, #tpu.memory_space<vmem>>
        %dma_start3A_1047 = arith.constant 0 : i32
        %dma_start3A_1048 = arith.constant 0 : i32
        %dma_start3A_1049 = tpu.memref_slice %arg5[%squeeze3A_1041, %dma_start3A_1047, %dma_start3A_1048] : memref<12500x8x16xf32, #tpu.memory_space<hbm>> -> memref<1x8x16xf32, #tpu.memory_space<hbm>>
        %dma_start3A_1050 = tpu.memref_squeeze %dma_start3A_1049 : memref<1x8x16xf32, #tpu.memory_space<hbm>> -> memref<8x16xf32, #tpu.memory_space<hbm>>
        %dma_start3A_1051 = arith.constant 0 : i32
        %dma_start3A_1052 = arith.constant 0 : i32
        %dma_start3A_1053 = tpu.memref_slice %arg10[%and3A_357, %dma_start3A_1042, %dma_start3A_1051, %dma_start3A_1052] : memref<2x8x8x16xf32, #tpu.memory_space<vmem>> -> memref<1x1x8x16xf32, #tpu.memory_space<vmem>>
        %dma_start3A_1054 = tpu.memref_squeeze %dma_start3A_1053 : memref<1x1x8x16xf32, #tpu.memory_space<vmem>> -> memref<8x16xf32, #tpu.memory_space<vmem>>
        %dma_start3A_1055 = arith.constant 0 : i32
        %dma_start3A_1056 = arith.constant 0 : i32
        %dma_start3A_1057 = tpu.memref_slice %arg5[%squeeze3A_1041, %dma_start3A_1055, %dma_start3A_1056] : memref<12500x8x16xf32, #tpu.memory_space<hbm>> -> memref<1x8x16xf32, #tpu.memory_space<hbm>>
        %dma_start3A_1058 = tpu.memref_squeeze %dma_start3A_1057 : memref<1x8x16xf32, #tpu.memory_space<hbm>> -> memref<8x16xf32, #tpu.memory_space<hbm>>
        tpu.enqueue_dma source(%dma_start3A_1058 : memref<8x16xf32, #tpu.memory_space<hbm>>) target(%dma_start3A_1054 : memref<8x16xf32, #tpu.memory_space<vmem>>) target_semaphore(%arg13 : memref<!tpu.dma_semaphore, #tpu.memory_space<semaphore_mem>>)
        %slice3A_1059 = vector.extract_strided_slice %shift_right_logical3A_866 {offsets = [5], sizes = [1], strides = [1]} : vector<16xi32> to vector<1xi32>
        %squeeze3A_1060 = vector.extract %slice3A_1059[0] : i32 from vector<1xi32>
        %mul3A_1061 = arith.constant 128 : i32
        %mul3A_1062 = arith.muli %squeeze3A_1060, %mul3A_1061 : i32
        %multiple_of3A_1063 = tpu.assume_multiple %mul3A_1062, 128 : i32
        %dma_start3A_1064 = arith.constant 5 : i32
        %dma_start3A_1065 = arith.constant 0 : i32
        %dma_start3A_1066 = arith.constant 0 : i32
        %dma_start3A_1067 = tpu.memref_slice %arg9[%and3A_357, %dma_start3A_1064, %dma_start3A_1065, %dma_start3A_1066] : memref<2x8x32x128xf32, #tpu.memory_space<vmem>> -> memref<1x1x32x128xf32, #tpu.memory_space<vmem>>
        %dma_start3A_1068 = tpu.memref_squeeze %dma_start3A_1067 : memref<1x1x32x128xf32, #tpu.memory_space<vmem>> -> memref<32x128xf32, #tpu.memory_space<vmem>>
        %dma_start3A_1069 = arith.constant 0 : i32
        %dma_start3A_1070 = tpu.memref_slice %arg4[%dma_start3A_1069, %multiple_of3A_1063] : memref<32x1000000xf32, #tpu.memory_space<hbm>> -> memref<32x128xf32, #tpu.memory_space<hbm>>
        %dma_start3A_1071 = arith.constant 0 : i32
        %dma_start3A_1072 = arith.constant 0 : i32
        %dma_start3A_1073 = tpu.memref_slice %arg9[%and3A_357, %dma_start3A_1064, %dma_start3A_1071, %dma_start3A_1072] : memref<2x8x32x128xf32, #tpu.memory_space<vmem>> -> memref<1x1x32x128xf32, #tpu.memory_space<vmem>>
        %dma_start3A_1074 = tpu.memref_squeeze %dma_start3A_1073 : memref<1x1x32x128xf32, #tpu.memory_space<vmem>> -> memref<32x128xf32, #tpu.memory_space<vmem>>
        %dma_start3A_1075 = arith.constant 0 : i32
        %dma_start3A_1076 = tpu.memref_slice %arg4[%dma_start3A_1075, %multiple_of3A_1063] : memref<32x1000000xf32, #tpu.memory_space<hbm>> -> memref<32x128xf32, #tpu.memory_space<hbm>>
        tpu.enqueue_dma source(%dma_start3A_1076 : memref<32x128xf32, #tpu.memory_space<hbm>>) target(%dma_start3A_1074 : memref<32x128xf32, #tpu.memory_space<vmem>>) target_semaphore(%arg12 : memref<!tpu.dma_semaphore, #tpu.memory_space<semaphore_mem>>)
        %slice3A_1077 = vector.extract_strided_slice %shift_right_logical3A_873 {offsets = [5], sizes = [1], strides = [1]} : vector<16xi32> to vector<1xi32>
        %squeeze3A_1078 = vector.extract %slice3A_1077[0] : i32 from vector<1xi32>
        %dma_start3A_1079 = arith.constant 5 : i32
        %dma_start3A_1080 = arith.constant 0 : i32
        %dma_start3A_1081 = arith.constant 0 : i32
        %dma_start3A_1082 = tpu.memref_slice %arg10[%and3A_357, %dma_start3A_1079, %dma_start3A_1080, %dma_start3A_1081] : memref<2x8x8x16xf32, #tpu.memory_space<vmem>> -> memref<1x1x8x16xf32, #tpu.memory_space<vmem>>
        %dma_start3A_1083 = tpu.memref_squeeze %dma_start3A_1082 : memref<1x1x8x16xf32, #tpu.memory_space<vmem>> -> memref<8x16xf32, #tpu.memory_space<vmem>>
        %dma_start3A_1084 = arith.constant 0 : i32
        %dma_start3A_1085 = arith.constant 0 : i32
        %dma_start3A_1086 = tpu.memref_slice %arg5[%squeeze3A_1078, %dma_start3A_1084, %dma_start3A_1085] : memref<12500x8x16xf32, #tpu.memory_space<hbm>> -> memref<1x8x16xf32, #tpu.memory_space<hbm>>
        %dma_start3A_1087 = tpu.memref_squeeze %dma_start3A_1086 : memref<1x8x16xf32, #tpu.memory_space<hbm>> -> memref<8x16xf32, #tpu.memory_space<hbm>>
        %dma_start3A_1088 = arith.constant 0 : i32
        %dma_start3A_1089 = arith.constant 0 : i32
        %dma_start3A_1090 = tpu.memref_slice %arg10[%and3A_357, %dma_start3A_1079, %dma_start3A_1088, %dma_start3A_1089] : memref<2x8x8x16xf32, #tpu.memory_space<vmem>> -> memref<1x1x8x16xf32, #tpu.memory_space<vmem>>
        %dma_start3A_1091 = tpu.memref_squeeze %dma_start3A_1090 : memref<1x1x8x16xf32, #tpu.memory_space<vmem>> -> memref<8x16xf32, #tpu.memory_space<vmem>>
        %dma_start3A_1092 = arith.constant 0 : i32
        %dma_start3A_1093 = arith.constant 0 : i32
        %dma_start3A_1094 = tpu.memref_slice %arg5[%squeeze3A_1078, %dma_start3A_1092, %dma_start3A_1093] : memref<12500x8x16xf32, #tpu.memory_space<hbm>> -> memref<1x8x16xf32, #tpu.memory_space<hbm>>
        %dma_start3A_1095 = tpu.memref_squeeze %dma_start3A_1094 : memref<1x8x16xf32, #tpu.memory_space<hbm>> -> memref<8x16xf32, #tpu.memory_space<hbm>>
        tpu.enqueue_dma source(%dma_start3A_1095 : memref<8x16xf32, #tpu.memory_space<hbm>>) target(%dma_start3A_1091 : memref<8x16xf32, #tpu.memory_space<vmem>>) target_semaphore(%arg13 : memref<!tpu.dma_semaphore, #tpu.memory_space<semaphore_mem>>)
        %slice3A_1096 = vector.extract_strided_slice %shift_right_logical3A_866 {offsets = [6], sizes = [1], strides = [1]} : vector<16xi32> to vector<1xi32>
        %squeeze3A_1097 = vector.extract %slice3A_1096[0] : i32 from vector<1xi32>
        %mul3A_1098 = arith.constant 128 : i32
        %mul3A_1099 = arith.muli %squeeze3A_1097, %mul3A_1098 : i32
        %multiple_of3A_1100 = tpu.assume_multiple %mul3A_1099, 128 : i32
        %dma_start3A_1101 = arith.constant 6 : i32
        %dma_start3A_1102 = arith.constant 0 : i32
        %dma_start3A_1103 = arith.constant 0 : i32
        %dma_start3A_1104 = tpu.memref_slice %arg9[%and3A_357, %dma_start3A_1101, %dma_start3A_1102, %dma_start3A_1103] : memref<2x8x32x128xf32, #tpu.memory_space<vmem>> -> memref<1x1x32x128xf32, #tpu.memory_space<vmem>>
        %dma_start3A_1105 = tpu.memref_squeeze %dma_start3A_1104 : memref<1x1x32x128xf32, #tpu.memory_space<vmem>> -> memref<32x128xf32, #tpu.memory_space<vmem>>
        %dma_start3A_1106 = arith.constant 0 : i32
        %dma_start3A_1107 = tpu.memref_slice %arg4[%dma_start3A_1106, %multiple_of3A_1100] : memref<32x1000000xf32, #tpu.memory_space<hbm>> -> memref<32x128xf32, #tpu.memory_space<hbm>>
        %dma_start3A_1108 = arith.constant 0 : i32
        %dma_start3A_1109 = arith.constant 0 : i32
        %dma_start3A_1110 = tpu.memref_slice %arg9[%and3A_357, %dma_start3A_1101, %dma_start3A_1108, %dma_start3A_1109] : memref<2x8x32x128xf32, #tpu.memory_space<vmem>> -> memref<1x1x32x128xf32, #tpu.memory_space<vmem>>
        %dma_start3A_1111 = tpu.memref_squeeze %dma_start3A_1110 : memref<1x1x32x128xf32, #tpu.memory_space<vmem>> -> memref<32x128xf32, #tpu.memory_space<vmem>>
        %dma_start3A_1112 = arith.constant 0 : i32
        %dma_start3A_1113 = tpu.memref_slice %arg4[%dma_start3A_1112, %multiple_of3A_1100] : memref<32x1000000xf32, #tpu.memory_space<hbm>> -> memref<32x128xf32, #tpu.memory_space<hbm>>
        tpu.enqueue_dma source(%dma_start3A_1113 : memref<32x128xf32, #tpu.memory_space<hbm>>) target(%dma_start3A_1111 : memref<32x128xf32, #tpu.memory_space<vmem>>) target_semaphore(%arg12 : memref<!tpu.dma_semaphore, #tpu.memory_space<semaphore_mem>>)
        %slice3A_1114 = vector.extract_strided_slice %shift_right_logical3A_873 {offsets = [6], sizes = [1], strides = [1]} : vector<16xi32> to vector<1xi32>
        %squeeze3A_1115 = vector.extract %slice3A_1114[0] : i32 from vector<1xi32>
        %dma_start3A_1116 = arith.constant 6 : i32
        %dma_start3A_1117 = arith.constant 0 : i32
        %dma_start3A_1118 = arith.constant 0 : i32
        %dma_start3A_1119 = tpu.memref_slice %arg10[%and3A_357, %dma_start3A_1116, %dma_start3A_1117, %dma_start3A_1118] : memref<2x8x8x16xf32, #tpu.memory_space<vmem>> -> memref<1x1x8x16xf32, #tpu.memory_space<vmem>>
        %dma_start3A_1120 = tpu.memref_squeeze %dma_start3A_1119 : memref<1x1x8x16xf32, #tpu.memory_space<vmem>> -> memref<8x16xf32, #tpu.memory_space<vmem>>
        %dma_start3A_1121 = arith.constant 0 : i32
        %dma_start3A_1122 = arith.constant 0 : i32
        %dma_start3A_1123 = tpu.memref_slice %arg5[%squeeze3A_1115, %dma_start3A_1121, %dma_start3A_1122] : memref<12500x8x16xf32, #tpu.memory_space<hbm>> -> memref<1x8x16xf32, #tpu.memory_space<hbm>>
        %dma_start3A_1124 = tpu.memref_squeeze %dma_start3A_1123 : memref<1x8x16xf32, #tpu.memory_space<hbm>> -> memref<8x16xf32, #tpu.memory_space<hbm>>
        %dma_start3A_1125 = arith.constant 0 : i32
        %dma_start3A_1126 = arith.constant 0 : i32
        %dma_start3A_1127 = tpu.memref_slice %arg10[%and3A_357, %dma_start3A_1116, %dma_start3A_1125, %dma_start3A_1126] : memref<2x8x8x16xf32, #tpu.memory_space<vmem>> -> memref<1x1x8x16xf32, #tpu.memory_space<vmem>>
        %dma_start3A_1128 = tpu.memref_squeeze %dma_start3A_1127 : memref<1x1x8x16xf32, #tpu.memory_space<vmem>> -> memref<8x16xf32, #tpu.memory_space<vmem>>
        %dma_start3A_1129 = arith.constant 0 : i32
        %dma_start3A_1130 = arith.constant 0 : i32
        %dma_start3A_1131 = tpu.memref_slice %arg5[%squeeze3A_1115, %dma_start3A_1129, %dma_start3A_1130] : memref<12500x8x16xf32, #tpu.memory_space<hbm>> -> memref<1x8x16xf32, #tpu.memory_space<hbm>>
        %dma_start3A_1132 = tpu.memref_squeeze %dma_start3A_1131 : memref<1x8x16xf32, #tpu.memory_space<hbm>> -> memref<8x16xf32, #tpu.memory_space<hbm>>
        tpu.enqueue_dma source(%dma_start3A_1132 : memref<8x16xf32, #tpu.memory_space<hbm>>) target(%dma_start3A_1128 : memref<8x16xf32, #tpu.memory_space<vmem>>) target_semaphore(%arg13 : memref<!tpu.dma_semaphore, #tpu.memory_space<semaphore_mem>>)
        %slice3A_1133 = vector.extract_strided_slice %shift_right_logical3A_866 {offsets = [7], sizes = [1], strides = [1]} : vector<16xi32> to vector<1xi32>
        %squeeze3A_1134 = vector.extract %slice3A_1133[0] : i32 from vector<1xi32>
        %mul3A_1135 = arith.constant 128 : i32
        %mul3A_1136 = arith.muli %squeeze3A_1134, %mul3A_1135 : i32
        %multiple_of3A_1137 = tpu.assume_multiple %mul3A_1136, 128 : i32
        %dma_start3A_1138 = arith.constant 7 : i32
        %dma_start3A_1139 = arith.constant 0 : i32
        %dma_start3A_1140 = arith.constant 0 : i32
        %dma_start3A_1141 = tpu.memref_slice %arg9[%and3A_357, %dma_start3A_1138, %dma_start3A_1139, %dma_start3A_1140] : memref<2x8x32x128xf32, #tpu.memory_space<vmem>> -> memref<1x1x32x128xf32, #tpu.memory_space<vmem>>
        %dma_start3A_1142 = tpu.memref_squeeze %dma_start3A_1141 : memref<1x1x32x128xf32, #tpu.memory_space<vmem>> -> memref<32x128xf32, #tpu.memory_space<vmem>>
        %dma_start3A_1143 = arith.constant 0 : i32
        %dma_start3A_1144 = tpu.memref_slice %arg4[%dma_start3A_1143, %multiple_of3A_1137] : memref<32x1000000xf32, #tpu.memory_space<hbm>> -> memref<32x128xf32, #tpu.memory_space<hbm>>
        %dma_start3A_1145 = arith.constant 0 : i32
        %dma_start3A_1146 = arith.constant 0 : i32
        %dma_start3A_1147 = tpu.memref_slice %arg9[%and3A_357, %dma_start3A_1138, %dma_start3A_1145, %dma_start3A_1146] : memref<2x8x32x128xf32, #tpu.memory_space<vmem>> -> memref<1x1x32x128xf32, #tpu.memory_space<vmem>>
        %dma_start3A_1148 = tpu.memref_squeeze %dma_start3A_1147 : memref<1x1x32x128xf32, #tpu.memory_space<vmem>> -> memref<32x128xf32, #tpu.memory_space<vmem>>
        %dma_start3A_1149 = arith.constant 0 : i32
        %dma_start3A_1150 = tpu.memref_slice %arg4[%dma_start3A_1149, %multiple_of3A_1137] : memref<32x1000000xf32, #tpu.memory_space<hbm>> -> memref<32x128xf32, #tpu.memory_space<hbm>>
        tpu.enqueue_dma source(%dma_start3A_1150 : memref<32x128xf32, #tpu.memory_space<hbm>>) target(%dma_start3A_1148 : memref<32x128xf32, #tpu.memory_space<vmem>>) target_semaphore(%arg12 : memref<!tpu.dma_semaphore, #tpu.memory_space<semaphore_mem>>)
        %slice3A_1151 = vector.extract_strided_slice %shift_right_logical3A_873 {offsets = [7], sizes = [1], strides = [1]} : vector<16xi32> to vector<1xi32>
        %squeeze3A_1152 = vector.extract %slice3A_1151[0] : i32 from vector<1xi32>
        %dma_start3A_1153 = arith.constant 7 : i32
        %dma_start3A_1154 = arith.constant 0 : i32
        %dma_start3A_1155 = arith.constant 0 : i32
        %dma_start3A_1156 = tpu.memref_slice %arg10[%and3A_357, %dma_start3A_1153, %dma_start3A_1154, %dma_start3A_1155] : memref<2x8x8x16xf32, #tpu.memory_space<vmem>> -> memref<1x1x8x16xf32, #tpu.memory_space<vmem>>
        %dma_start3A_1157 = tpu.memref_squeeze %dma_start3A_1156 : memref<1x1x8x16xf32, #tpu.memory_space<vmem>> -> memref<8x16xf32, #tpu.memory_space<vmem>>
        %dma_start3A_1158 = arith.constant 0 : i32
        %dma_start3A_1159 = arith.constant 0 : i32
        %dma_start3A_1160 = tpu.memref_slice %arg5[%squeeze3A_1152, %dma_start3A_1158, %dma_start3A_1159] : memref<12500x8x16xf32, #tpu.memory_space<hbm>> -> memref<1x8x16xf32, #tpu.memory_space<hbm>>
        %dma_start3A_1161 = tpu.memref_squeeze %dma_start3A_1160 : memref<1x8x16xf32, #tpu.memory_space<hbm>> -> memref<8x16xf32, #tpu.memory_space<hbm>>
        %dma_start3A_1162 = arith.constant 0 : i32
        %dma_start3A_1163 = arith.constant 0 : i32
        %dma_start3A_1164 = tpu.memref_slice %arg10[%and3A_357, %dma_start3A_1153, %dma_start3A_1162, %dma_start3A_1163] : memref<2x8x8x16xf32, #tpu.memory_space<vmem>> -> memref<1x1x8x16xf32, #tpu.memory_space<vmem>>
        %dma_start3A_1165 = tpu.memref_squeeze %dma_start3A_1164 : memref<1x1x8x16xf32, #tpu.memory_space<vmem>> -> memref<8x16xf32, #tpu.memory_space<vmem>>
        %dma_start3A_1166 = arith.constant 0 : i32
        %dma_start3A_1167 = arith.constant 0 : i32
        %dma_start3A_1168 = tpu.memref_slice %arg5[%squeeze3A_1152, %dma_start3A_1166, %dma_start3A_1167] : memref<12500x8x16xf32, #tpu.memory_space<hbm>> -> memref<1x8x16xf32, #tpu.memory_space<hbm>>
        %dma_start3A_1169 = tpu.memref_squeeze %dma_start3A_1168 : memref<1x8x16xf32, #tpu.memory_space<hbm>> -> memref<8x16xf32, #tpu.memory_space<hbm>>
        tpu.enqueue_dma source(%dma_start3A_1169 : memref<8x16xf32, #tpu.memory_space<hbm>>) target(%dma_start3A_1165 : memref<8x16xf32, #tpu.memory_space<vmem>>) target_semaphore(%arg13 : memref<!tpu.dma_semaphore, #tpu.memory_space<semaphore_mem>>)
      } else {
      }
      %ge3A = arith.constant 2 : i32
      %ge3A_362 = arith.cmpi sge, %add3A_352, %ge3A : i32
      %convert_element_type3A_363 = arith.extui %ge3A_362 : i1 to i32
      %cond3A_364 = arith.constant 0 : i32
      %cond3A_365 = arith.cmpi ne, %convert_element_type3A_363, %cond3A_364 : i32
      scf.if %cond3A_365 {
        %dma_wait3A_858 = arith.constant 0 : i32
        %dma_wait3A_859 = arith.constant 0 : i32
        %dma_wait3A_860 = tpu.memref_slice %arg11[%and3A_353, %dma_wait3A_858, %dma_wait3A_859] : memref<2x8x48xf32, #tpu.memory_space<vmem>> -> memref<1x8x48xf32, #tpu.memory_space<vmem>>
        %dma_wait3A_861 = tpu.memref_squeeze %dma_wait3A_860 : memref<1x8x48xf32, #tpu.memory_space<vmem>> -> memref<8x48xf32, #tpu.memory_space<vmem>>
        %dma_wait3A_862 = arith.constant 0 : i32
        %dma_wait3A_863 = tpu.memref_slice %arg6[%mul3A_2, %dma_wait3A_862] : memref<16384x48xf32, #tpu.memory_space<hbm>> -> memref<8x48xf32, #tpu.memory_space<hbm>>
        %dma_wait3A_864 = arith.constant 0 : i32
        %dma_wait3A_865 = tpu.memref_slice %arg6[%mul3A_2, %dma_wait3A_864] : memref<16384x48xf32, #tpu.memory_space<hbm>> -> memref<8x48xf32, #tpu.memory_space<hbm>>
        %dma_wait3A_866 = arith.constant 0 : i32
        %dma_wait3A_867 = arith.constant 0 : i32
        %dma_wait3A_868 = tpu.memref_slice %arg11[%and3A_353, %dma_wait3A_866, %dma_wait3A_867] : memref<2x8x48xf32, #tpu.memory_space<vmem>> -> memref<1x8x48xf32, #tpu.memory_space<vmem>>
        %dma_wait3A_869 = tpu.memref_squeeze %dma_wait3A_868 : memref<1x8x48xf32, #tpu.memory_space<vmem>> -> memref<8x48xf32, #tpu.memory_space<vmem>>
        tpu.wait_dma2 semaphore(%arg14 : memref<!tpu.dma_semaphore, #tpu.memory_space<semaphore_mem>>) src(%dma_wait3A_869 : memref<8x48xf32, #tpu.memory_space<vmem>>) dst(%dma_wait3A_865 : memref<8x48xf32, #tpu.memory_space<hbm>>)
      } else {
      }
      %mul3A_366 = arith.constant 8 : i32
      %mul3A_367 = arith.muli %add3A_352, %mul3A_366 : i32
      %get3A_368 = arith.index_cast %mul3A_367 : i32 to index
      %get3A_369 = tpu.vector_load %arg7[%get3A_368] {strides = array<i32>} : memref<520xi32, #tpu.memory_space<vmem>>, vector<16xi32>,
      %and3A_370 = arith.constant 127 : i32
      %and3A_371 = vector.broadcast %and3A_370 : i32 to vector<16xi32>
      %and3A_372 = arith.andi %get3A_369, %and3A_371 : vector<16xi32>
      %mul3A_373 = arith.constant 8 : i32
      %mul3A_374 = arith.muli %add3A_352, %mul3A_373 : i32
      %get3A_375 = arith.index_cast %mul3A_374 : i32 to index
      %get3A_376 = tpu.vector_load %arg8[%get3A_375] {strides = array<i32>} : memref<520xi32, #tpu.memory_space<vmem>>, vector<16xi32>,
      %and3A_377 = arith.constant 7 : i32
      %and3A_378 = vector.broadcast %and3A_377 : i32 to vector<16xi32>
      %and3A_379 = arith.andi %get3A_376, %and3A_378 : vector<16xi32>
      %dma_wait3A_380 = arith.constant 0 : i32
      %dma_wait3A_381 = arith.constant 0 : i32
      %dma_wait3A_382 = arith.constant 0 : i32
      %dma_wait3A_383 = tpu.memref_slice %arg9[%and3A_353, %dma_wait3A_380, %dma_wait3A_381, %dma_wait3A_382] : memref<2x8x32x128xf32, #tpu.memory_space<vmem>> -> memref<1x1x32x128xf32, #tpu.memory_space<vmem>>
      %dma_wait3A_384 = tpu.memref_squeeze %dma_wait3A_383 : memref<1x1x32x128xf32, #tpu.memory_space<vmem>> -> memref<32x128xf32, #tpu.memory_space<vmem>>
      %dma_wait3A_385 = arith.constant 0 : i32
      %dma_wait3A_386 = arith.constant 0 : i32
      %dma_wait3A_387 = tpu.memref_slice %arg4[%dma_wait3A_385, %dma_wait3A_386] : memref<32x1000000xf32, #tpu.memory_space<hbm>> -> memref<32x128xf32, #tpu.memory_space<hbm>>
      %dma_wait3A_388 = arith.constant 0 : i32
      %dma_wait3A_389 = arith.constant 0 : i32
      %dma_wait3A_390 = tpu.memref_slice %arg9[%and3A_353, %dma_wait3A_380, %dma_wait3A_388, %dma_wait3A_389] : memref<2x8x32x128xf32, #tpu.memory_space<vmem>> -> memref<1x1x32x128xf32, #tpu.memory_space<vmem>>
      %dma_wait3A_391 = tpu.memref_squeeze %dma_wait3A_390 : memref<1x1x32x128xf32, #tpu.memory_space<vmem>> -> memref<32x128xf32, #tpu.memory_space<vmem>>
      %dma_wait3A_392 = arith.constant 0 : i32
      %dma_wait3A_393 = arith.constant 0 : i32
      %dma_wait3A_394 = tpu.memref_slice %arg4[%dma_wait3A_392, %dma_wait3A_393] : memref<32x1000000xf32, #tpu.memory_space<hbm>> -> memref<32x128xf32, #tpu.memory_space<hbm>>
      tpu.wait_dma2 semaphore(%arg12 : memref<!tpu.dma_semaphore, #tpu.memory_space<semaphore_mem>>) src(%dma_wait3A_394 : memref<32x128xf32, #tpu.memory_space<hbm>>) dst(%dma_wait3A_391 : memref<32x128xf32, #tpu.memory_space<vmem>>)
      %dma_wait3A_395 = arith.constant 1 : i32
      %dma_wait3A_396 = arith.constant 0 : i32
      %dma_wait3A_397 = arith.constant 0 : i32
      %dma_wait3A_398 = tpu.memref_slice %arg9[%and3A_353, %dma_wait3A_395, %dma_wait3A_396, %dma_wait3A_397] : memref<2x8x32x128xf32, #tpu.memory_space<vmem>> -> memref<1x1x32x128xf32, #tpu.memory_space<vmem>>
      %dma_wait3A_399 = tpu.memref_squeeze %dma_wait3A_398 : memref<1x1x32x128xf32, #tpu.memory_space<vmem>> -> memref<32x128xf32, #tpu.memory_space<vmem>>
      %dma_wait3A_400 = arith.constant 0 : i32
      %dma_wait3A_401 = arith.constant 0 : i32
      %dma_wait3A_402 = tpu.memref_slice %arg4[%dma_wait3A_400, %dma_wait3A_401] : memref<32x1000000xf32, #tpu.memory_space<hbm>> -> memref<32x128xf32, #tpu.memory_space<hbm>>
      %dma_wait3A_403 = arith.constant 0 : i32
      %dma_wait3A_404 = arith.constant 0 : i32
      %dma_wait3A_405 = tpu.memref_slice %arg9[%and3A_353, %dma_wait3A_395, %dma_wait3A_403, %dma_wait3A_404] : memref<2x8x32x128xf32, #tpu.memory_space<vmem>> -> memref<1x1x32x128xf32, #tpu.memory_space<vmem>>
      %dma_wait3A_406 = tpu.memref_squeeze %dma_wait3A_405 : memref<1x1x32x128xf32, #tpu.memory_space<vmem>> -> memref<32x128xf32, #tpu.memory_space<vmem>>
      %dma_wait3A_407 = arith.constant 0 : i32
      %dma_wait3A_408 = arith.constant 0 : i32
      %dma_wait3A_409 = tpu.memref_slice %arg4[%dma_wait3A_407, %dma_wait3A_408] : memref<32x1000000xf32, #tpu.memory_space<hbm>> -> memref<32x128xf32, #tpu.memory_space<hbm>>
      tpu.wait_dma2 semaphore(%arg12 : memref<!tpu.dma_semaphore, #tpu.memory_space<semaphore_mem>>) src(%dma_wait3A_409 : memref<32x128xf32, #tpu.memory_space<hbm>>) dst(%dma_wait3A_406 : memref<32x128xf32, #tpu.memory_space<vmem>>)
      %dma_wait3A_410 = arith.constant 2 : i32
      %dma_wait3A_411 = arith.constant 0 : i32
      %dma_wait3A_412 = arith.constant 0 : i32
      %dma_wait3A_413 = tpu.memref_slice %arg9[%and3A_353, %dma_wait3A_410, %dma_wait3A_411, %dma_wait3A_412] : memref<2x8x32x128xf32, #tpu.memory_space<vmem>> -> memref<1x1x32x128xf32, #tpu.memory_space<vmem>>
      %dma_wait3A_414 = tpu.memref_squeeze %dma_wait3A_413 : memref<1x1x32x128xf32, #tpu.memory_space<vmem>> -> memref<32x128xf32, #tpu.memory_space<vmem>>
      %dma_wait3A_415 = arith.constant 0 : i32
      %dma_wait3A_416 = arith.constant 0 : i32
      %dma_wait3A_417 = tpu.memref_slice %arg4[%dma_wait3A_415, %dma_wait3A_416] : memref<32x1000000xf32, #tpu.memory_space<hbm>> -> memref<32x128xf32, #tpu.memory_space<hbm>>
      %dma_wait3A_418 = arith.constant 0 : i32
      %dma_wait3A_419 = arith.constant 0 : i32
      %dma_wait3A_420 = tpu.memref_slice %arg9[%and3A_353, %dma_wait3A_410, %dma_wait3A_418, %dma_wait3A_419] : memref<2x8x32x128xf32, #tpu.memory_space<vmem>> -> memref<1x1x32x128xf32, #tpu.memory_space<vmem>>
      %dma_wait3A_421 = tpu.memref_squeeze %dma_wait3A_420 : memref<1x1x32x128xf32, #tpu.memory_space<vmem>> -> memref<32x128xf32, #tpu.memory_space<vmem>>
      %dma_wait3A_422 = arith.constant 0 : i32
      %dma_wait3A_423 = arith.constant 0 : i32
      %dma_wait3A_424 = tpu.memref_slice %arg4[%dma_wait3A_422, %dma_wait3A_423] : memref<32x1000000xf32, #tpu.memory_space<hbm>> -> memref<32x128xf32, #tpu.memory_space<hbm>>
      tpu.wait_dma2 semaphore(%arg12 : memref<!tpu.dma_semaphore, #tpu.memory_space<semaphore_mem>>) src(%dma_wait3A_424 : memref<32x128xf32, #tpu.memory_space<hbm>>) dst(%dma_wait3A_421 : memref<32x128xf32, #tpu.memory_space<vmem>>)
      %dma_wait3A_425 = arith.constant 3 : i32
      %dma_wait3A_426 = arith.constant 0 : i32
      %dma_wait3A_427 = arith.constant 0 : i32
      %dma_wait3A_428 = tpu.memref_slice %arg9[%and3A_353, %dma_wait3A_425, %dma_wait3A_426, %dma_wait3A_427] : memref<2x8x32x128xf32, #tpu.memory_space<vmem>> -> memref<1x1x32x128xf32, #tpu.memory_space<vmem>>
      %dma_wait3A_429 = tpu.memref_squeeze %dma_wait3A_428 : memref<1x1x32x128xf32, #tpu.memory_space<vmem>> -> memref<32x128xf32, #tpu.memory_space<vmem>>
      %dma_wait3A_430 = arith.constant 0 : i32
      %dma_wait3A_431 = arith.constant 0 : i32
      %dma_wait3A_432 = tpu.memref_slice %arg4[%dma_wait3A_430, %dma_wait3A_431] : memref<32x1000000xf32, #tpu.memory_space<hbm>> -> memref<32x128xf32, #tpu.memory_space<hbm>>
      %dma_wait3A_433 = arith.constant 0 : i32
      %dma_wait3A_434 = arith.constant 0 : i32
      %dma_wait3A_435 = tpu.memref_slice %arg9[%and3A_353, %dma_wait3A_425, %dma_wait3A_433, %dma_wait3A_434] : memref<2x8x32x128xf32, #tpu.memory_space<vmem>> -> memref<1x1x32x128xf32, #tpu.memory_space<vmem>>
      %dma_wait3A_436 = tpu.memref_squeeze %dma_wait3A_435 : memref<1x1x32x128xf32, #tpu.memory_space<vmem>> -> memref<32x128xf32, #tpu.memory_space<vmem>>
      %dma_wait3A_437 = arith.constant 0 : i32
      %dma_wait3A_438 = arith.constant 0 : i32
      %dma_wait3A_439 = tpu.memref_slice %arg4[%dma_wait3A_437, %dma_wait3A_438] : memref<32x1000000xf32, #tpu.memory_space<hbm>> -> memref<32x128xf32, #tpu.memory_space<hbm>>
      tpu.wait_dma2 semaphore(%arg12 : memref<!tpu.dma_semaphore, #tpu.memory_space<semaphore_mem>>) src(%dma_wait3A_439 : memref<32x128xf32, #tpu.memory_space<hbm>>) dst(%dma_wait3A_436 : memref<32x128xf32, #tpu.memory_space<vmem>>)
      %dma_wait3A_440 = arith.constant 4 : i32
      %dma_wait3A_441 = arith.constant 0 : i32
      %dma_wait3A_442 = arith.constant 0 : i32
      %dma_wait3A_443 = tpu.memref_slice %arg9[%and3A_353, %dma_wait3A_440, %dma_wait3A_441, %dma_wait3A_442] : memref<2x8x32x128xf32, #tpu.memory_space<vmem>> -> memref<1x1x32x128xf32, #tpu.memory_space<vmem>>
      %dma_wait3A_444 = tpu.memref_squeeze %dma_wait3A_443 : memref<1x1x32x128xf32, #tpu.memory_space<vmem>> -> memref<32x128xf32, #tpu.memory_space<vmem>>
      %dma_wait3A_445 = arith.constant 0 : i32
      %dma_wait3A_446 = arith.constant 0 : i32
      %dma_wait3A_447 = tpu.memref_slice %arg4[%dma_wait3A_445, %dma_wait3A_446] : memref<32x1000000xf32, #tpu.memory_space<hbm>> -> memref<32x128xf32, #tpu.memory_space<hbm>>
      %dma_wait3A_448 = arith.constant 0 : i32
      %dma_wait3A_449 = arith.constant 0 : i32
      %dma_wait3A_450 = tpu.memref_slice %arg9[%and3A_353, %dma_wait3A_440, %dma_wait3A_448, %dma_wait3A_449] : memref<2x8x32x128xf32, #tpu.memory_space<vmem>> -> memref<1x1x32x128xf32, #tpu.memory_space<vmem>>
      %dma_wait3A_451 = tpu.memref_squeeze %dma_wait3A_450 : memref<1x1x32x128xf32, #tpu.memory_space<vmem>> -> memref<32x128xf32, #tpu.memory_space<vmem>>
      %dma_wait3A_452 = arith.constant 0 : i32
      %dma_wait3A_453 = arith.constant 0 : i32
      %dma_wait3A_454 = tpu.memref_slice %arg4[%dma_wait3A_452, %dma_wait3A_453] : memref<32x1000000xf32, #tpu.memory_space<hbm>> -> memref<32x128xf32, #tpu.memory_space<hbm>>
      tpu.wait_dma2 semaphore(%arg12 : memref<!tpu.dma_semaphore, #tpu.memory_space<semaphore_mem>>) src(%dma_wait3A_454 : memref<32x128xf32, #tpu.memory_space<hbm>>) dst(%dma_wait3A_451 : memref<32x128xf32, #tpu.memory_space<vmem>>)
      %dma_wait3A_455 = arith.constant 5 : i32
      %dma_wait3A_456 = arith.constant 0 : i32
      %dma_wait3A_457 = arith.constant 0 : i32
      %dma_wait3A_458 = tpu.memref_slice %arg9[%and3A_353, %dma_wait3A_455, %dma_wait3A_456, %dma_wait3A_457] : memref<2x8x32x128xf32, #tpu.memory_space<vmem>> -> memref<1x1x32x128xf32, #tpu.memory_space<vmem>>
      %dma_wait3A_459 = tpu.memref_squeeze %dma_wait3A_458 : memref<1x1x32x128xf32, #tpu.memory_space<vmem>> -> memref<32x128xf32, #tpu.memory_space<vmem>>
      %dma_wait3A_460 = arith.constant 0 : i32
      %dma_wait3A_461 = arith.constant 0 : i32
      %dma_wait3A_462 = tpu.memref_slice %arg4[%dma_wait3A_460, %dma_wait3A_461] : memref<32x1000000xf32, #tpu.memory_space<hbm>> -> memref<32x128xf32, #tpu.memory_space<hbm>>
      %dma_wait3A_463 = arith.constant 0 : i32
      %dma_wait3A_464 = arith.constant 0 : i32
      %dma_wait3A_465 = tpu.memref_slice %arg9[%and3A_353, %dma_wait3A_455, %dma_wait3A_463, %dma_wait3A_464] : memref<2x8x32x128xf32, #tpu.memory_space<vmem>> -> memref<1x1x32x128xf32, #tpu.memory_space<vmem>>
      %dma_wait3A_466 = tpu.memref_squeeze %dma_wait3A_465 : memref<1x1x32x128xf32, #tpu.memory_space<vmem>> -> memref<32x128xf32, #tpu.memory_space<vmem>>
      %dma_wait3A_467 = arith.constant 0 : i32
      %dma_wait3A_468 = arith.constant 0 : i32
      %dma_wait3A_469 = tpu.memref_slice %arg4[%dma_wait3A_467, %dma_wait3A_468] : memref<32x1000000xf32, #tpu.memory_space<hbm>> -> memref<32x128xf32, #tpu.memory_space<hbm>>
      tpu.wait_dma2 semaphore(%arg12 : memref<!tpu.dma_semaphore, #tpu.memory_space<semaphore_mem>>) src(%dma_wait3A_469 : memref<32x128xf32, #tpu.memory_space<hbm>>) dst(%dma_wait3A_466 : memref<32x128xf32, #tpu.memory_space<vmem>>)
      %dma_wait3A_470 = arith.constant 6 : i32
      %dma_wait3A_471 = arith.constant 0 : i32
      %dma_wait3A_472 = arith.constant 0 : i32
      %dma_wait3A_473 = tpu.memref_slice %arg9[%and3A_353, %dma_wait3A_470, %dma_wait3A_471, %dma_wait3A_472] : memref<2x8x32x128xf32, #tpu.memory_space<vmem>> -> memref<1x1x32x128xf32, #tpu.memory_space<vmem>>
      %dma_wait3A_474 = tpu.memref_squeeze %dma_wait3A_473 : memref<1x1x32x128xf32, #tpu.memory_space<vmem>> -> memref<32x128xf32, #tpu.memory_space<vmem>>
      %dma_wait3A_475 = arith.constant 0 : i32
      %dma_wait3A_476 = arith.constant 0 : i32
      %dma_wait3A_477 = tpu.memref_slice %arg4[%dma_wait3A_475, %dma_wait3A_476] : memref<32x1000000xf32, #tpu.memory_space<hbm>> -> memref<32x128xf32, #tpu.memory_space<hbm>>
      %dma_wait3A_478 = arith.constant 0 : i32
      %dma_wait3A_479 = arith.constant 0 : i32
      %dma_wait3A_480 = tpu.memref_slice %arg9[%and3A_353, %dma_wait3A_470, %dma_wait3A_478, %dma_wait3A_479] : memref<2x8x32x128xf32, #tpu.memory_space<vmem>> -> memref<1x1x32x128xf32, #tpu.memory_space<vmem>>
      %dma_wait3A_481 = tpu.memref_squeeze %dma_wait3A_480 : memref<1x1x32x128xf32, #tpu.memory_space<vmem>> -> memref<32x128xf32, #tpu.memory_space<vmem>>
      %dma_wait3A_482 = arith.constant 0 : i32
      %dma_wait3A_483 = arith.constant 0 : i32
      %dma_wait3A_484 = tpu.memref_slice %arg4[%dma_wait3A_482, %dma_wait3A_483] : memref<32x1000000xf32, #tpu.memory_space<hbm>> -> memref<32x128xf32, #tpu.memory_space<hbm>>
      tpu.wait_dma2 semaphore(%arg12 : memref<!tpu.dma_semaphore, #tpu.memory_space<semaphore_mem>>) src(%dma_wait3A_484 : memref<32x128xf32, #tpu.memory_space<hbm>>) dst(%dma_wait3A_481 : memref<32x128xf32, #tpu.memory_space<vmem>>)
      %dma_wait3A_485 = arith.constant 7 : i32
      %dma_wait3A_486 = arith.constant 0 : i32
      %dma_wait3A_487 = arith.constant 0 : i32
      %dma_wait3A_488 = tpu.memref_slice %arg9[%and3A_353, %dma_wait3A_485, %dma_wait3A_486, %dma_wait3A_487] : memref<2x8x32x128xf32, #tpu.memory_space<vmem>> -> memref<1x1x32x128xf32, #tpu.memory_space<vmem>>
      %dma_wait3A_489 = tpu.memref_squeeze %dma_wait3A_488 : memref<1x1x32x128xf32, #tpu.memory_space<vmem>> -> memref<32x128xf32, #tpu.memory_space<vmem>>
      %dma_wait3A_490 = arith.constant 0 : i32
      %dma_wait3A_491 = arith.constant 0 : i32
      %dma_wait3A_492 = tpu.memref_slice %arg4[%dma_wait3A_490, %dma_wait3A_491] : memref<32x1000000xf32, #tpu.memory_space<hbm>> -> memref<32x128xf32, #tpu.memory_space<hbm>>
      %dma_wait3A_493 = arith.constant 0 : i32
      %dma_wait3A_494 = arith.constant 0 : i32
      %dma_wait3A_495 = tpu.memref_slice %arg9[%and3A_353, %dma_wait3A_485, %dma_wait3A_493, %dma_wait3A_494] : memref<2x8x32x128xf32, #tpu.memory_space<vmem>> -> memref<1x1x32x128xf32, #tpu.memory_space<vmem>>
      %dma_wait3A_496 = tpu.memref_squeeze %dma_wait3A_495 : memref<1x1x32x128xf32, #tpu.memory_space<vmem>> -> memref<32x128xf32, #tpu.memory_space<vmem>>
      %dma_wait3A_497 = arith.constant 0 : i32
      %dma_wait3A_498 = arith.constant 0 : i32
      %dma_wait3A_499 = tpu.memref_slice %arg4[%dma_wait3A_497, %dma_wait3A_498] : memref<32x1000000xf32, #tpu.memory_space<hbm>> -> memref<32x128xf32, #tpu.memory_space<hbm>>
      tpu.wait_dma2 semaphore(%arg12 : memref<!tpu.dma_semaphore, #tpu.memory_space<semaphore_mem>>) src(%dma_wait3A_499 : memref<32x128xf32, #tpu.memory_space<hbm>>) dst(%dma_wait3A_496 : memref<32x128xf32, #tpu.memory_space<vmem>>)
      %dma_wait3A_500 = arith.constant 0 : i32
      %dma_wait3A_501 = arith.constant 0 : i32
      %dma_wait3A_502 = arith.constant 0 : i32
      %dma_wait3A_503 = tpu.memref_slice %arg10[%and3A_353, %dma_wait3A_500, %dma_wait3A_501, %dma_wait3A_502] : memref<2x8x8x16xf32, #tpu.memory_space<vmem>> -> memref<1x8x8x16xf32, #tpu.memory_space<vmem>>
      %dma_wait3A_504 = tpu.memref_squeeze %dma_wait3A_503 : memref<1x8x8x16xf32, #tpu.memory_space<vmem>> -> memref<8x8x16xf32, #tpu.memory_space<vmem>>
      %dma_wait3A_505 = arith.constant 0 : i32
      %dma_wait3A_506 = arith.constant 0 : i32
      %dma_wait3A_507 = arith.constant 0 : i32
      %dma_wait3A_508 = tpu.memref_slice %arg5[%dma_wait3A_505, %dma_wait3A_506, %dma_wait3A_507] : memref<12500x8x16xf32, #tpu.memory_space<hbm>> -> memref<8x8x16xf32, #tpu.memory_space<hbm>>
      %dma_wait3A_509 = arith.constant 0 : i32
      %dma_wait3A_510 = arith.constant 0 : i32
      %dma_wait3A_511 = arith.constant 0 : i32
      %dma_wait3A_512 = tpu.memref_slice %arg10[%and3A_353, %dma_wait3A_509, %dma_wait3A_510, %dma_wait3A_511] : memref<2x8x8x16xf32, #tpu.memory_space<vmem>> -> memref<1x8x8x16xf32, #tpu.memory_space<vmem>>
      %dma_wait3A_513 = tpu.memref_squeeze %dma_wait3A_512 : memref<1x8x8x16xf32, #tpu.memory_space<vmem>> -> memref<8x8x16xf32, #tpu.memory_space<vmem>>
      %dma_wait3A_514 = arith.constant 0 : i32
      %dma_wait3A_515 = arith.constant 0 : i32
      %dma_wait3A_516 = arith.constant 0 : i32
      %dma_wait3A_517 = tpu.memref_slice %arg5[%dma_wait3A_514, %dma_wait3A_515, %dma_wait3A_516] : memref<12500x8x16xf32, #tpu.memory_space<hbm>> -> memref<8x8x16xf32, #tpu.memory_space<hbm>>
      tpu.wait_dma2 semaphore(%arg13 : memref<!tpu.dma_semaphore, #tpu.memory_space<semaphore_mem>>) src(%dma_wait3A_517 : memref<8x8x16xf32, #tpu.memory_space<hbm>>) dst(%dma_wait3A_513 : memref<8x8x16xf32, #tpu.memory_space<vmem>>)
      %slice3A_518 = vector.extract_strided_slice %and3A_372 {offsets = [0], sizes = [1], strides = [1]} : vector<16xi32> to vector<1xi32>
      %squeeze3A_519 = vector.extract %slice3A_518[0] : i32 from vector<1xi32>
      %broadcast_in_dim3A = vector.broadcast %squeeze3A_519 : i32 to vector<16xi32>
      %gather3A = arith.constant 0 : i32
      %gather3A_520 = arith.constant 0 : i32
      %gather3A_521 = arith.constant 0 : i32
      %gather3A_522 = tpu.memref_slice %arg9[%and3A_353, %gather3A, %gather3A_520, %gather3A_521] : memref<2x8x32x128xf32, #tpu.memory_space<vmem>> -> memref<1x1x32x128xf32, #tpu.memory_space<vmem>>
      %gather3A_523 = tpu.memref_squeeze %gather3A_522 : memref<1x1x32x128xf32, #tpu.memory_space<vmem>> -> memref<32x128xf32, #tpu.memory_space<vmem>>
      %gather3A_524 = tpu.vector_load_idx %gather3A_523[%iota3A, %broadcast_in_dim3A] : memref<32x128xf32, #tpu.memory_space<vmem>>[vector<16xi32>, vector<16xi32>], vector<16xf32>,
      %swap3A = arith.constant 0 : i32
      %swap3A_525 = arith.index_cast %and3A_353 : i32 to index
      %swap3A_526 = arith.index_cast %swap3A : i32 to index
      %swap3A_527 = arith.constant 0 : index
      %swap3A_528 = tpu.vector_load %arg11[%swap3A_525, %swap3A_526, %swap3A_527] {strides = array<i32>} : memref<2x8x48xf32, #tpu.memory_space<vmem>>, vector<16xf32>,
      tpu.vector_store %arg11[%swap3A_525, %swap3A_526, %swap3A_527], %gather3A_524 {strides = array<i32>} : memref<2x8x48xf32, #tpu.memory_space<vmem>>, vector<16xf32>,
      %add3A_529 = arith.constant 16 : i32
      %add3A_530 = vector.broadcast %add3A_529 : i32 to vector<16xi32>
      %add3A_531 = arith.addi %iota3A, %add3A_530 : vector<16xi32>
      %gather3A_532 = arith.constant 0 : i32
      %gather3A_533 = arith.constant 0 : i32
      %gather3A_534 = arith.constant 0 : i32
      %gather3A_535 = tpu.memref_slice %arg9[%and3A_353, %gather3A_532, %gather3A_533, %gather3A_534] : memref<2x8x32x128xf32, #tpu.memory_space<vmem>> -> memref<1x1x32x128xf32, #tpu.memory_space<vmem>>
      %gather3A_536 = tpu.memref_squeeze %gather3A_535 : memref<1x1x32x128xf32, #tpu.memory_space<vmem>> -> memref<32x128xf32, #tpu.memory_space<vmem>>
      %gather3A_537 = tpu.vector_load_idx %gather3A_536[%add3A_531, %broadcast_in_dim3A] : memref<32x128xf32, #tpu.memory_space<vmem>>[vector<16xi32>, vector<16xi32>], vector<16xf32>,
      %swap3A_538 = arith.constant 0 : i32
      %swap3A_539 = arith.index_cast %and3A_353 : i32 to index
      %swap3A_540 = arith.index_cast %swap3A_538 : i32 to index
      %swap3A_541 = arith.constant 16 : index
      %swap3A_542 = tpu.vector_load %arg11[%swap3A_539, %swap3A_540, %swap3A_541] {strides = array<i32>} : memref<2x8x48xf32, #tpu.memory_space<vmem>>, vector<16xf32>,
      tpu.vector_store %arg11[%swap3A_539, %swap3A_540, %swap3A_541], %gather3A_537 {strides = array<i32>} : memref<2x8x48xf32, #tpu.memory_space<vmem>>, vector<16xf32>,
      %slice3A_543 = vector.extract_strided_slice %and3A_379 {offsets = [0], sizes = [1], strides = [1]} : vector<16xi32> to vector<1xi32>
      %squeeze3A_544 = vector.extract %slice3A_543[0] : i32 from vector<1xi32>
      %get3A_545 = arith.constant 0 : i32
      %get3A_546 = arith.index_cast %and3A_353 : i32 to index
      %get3A_547 = arith.index_cast %get3A_545 : i32 to index
      %get3A_548 = arith.index_cast %squeeze3A_544 : i32 to index
      %get3A_549 = arith.constant 0 : index
      %get3A_550 = tpu.vector_load %arg10[%get3A_546, %get3A_547, %get3A_548, %get3A_549] {strides = array<i32>} : memref<2x8x8x16xf32, #tpu.memory_space<vmem>>, vector<16xf32>,
      %swap3A_551 = arith.constant 0 : i32
      %swap3A_552 = arith.index_cast %and3A_353 : i32 to index
      %swap3A_553 = arith.index_cast %swap3A_551 : i32 to index
      %swap3A_554 = arith.constant 32 : index
      %swap3A_555 = tpu.vector_load %arg11[%swap3A_552, %swap3A_553, %swap3A_554] {strides = array<i32>} : memref<2x8x48xf32, #tpu.memory_space<vmem>>, vector<16xf32>,
      tpu.vector_store %arg11[%swap3A_552, %swap3A_553, %swap3A_554], %get3A_550 {strides = array<i32>} : memref<2x8x48xf32, #tpu.memory_space<vmem>>, vector<16xf32>,
      %slice3A_556 = vector.extract_strided_slice %and3A_372 {offsets = [1], sizes = [1], strides = [1]} : vector<16xi32> to vector<1xi32>
      %squeeze3A_557 = vector.extract %slice3A_556[0] : i32 from vector<1xi32>
      %broadcast_in_dim3A_558 = vector.broadcast %squeeze3A_557 : i32 to vector<16xi32>
      %gather3A_559 = arith.constant 1 : i32
      %gather3A_560 = arith.constant 0 : i32
      %gather3A_561 = arith.constant 0 : i32
      %gather3A_562 = tpu.memref_slice %arg9[%and3A_353, %gather3A_559, %gather3A_560, %gather3A_561] : memref<2x8x32x128xf32, #tpu.memory_space<vmem>> -> memref<1x1x32x128xf32, #tpu.memory_space<vmem>>
      %gather3A_563 = tpu.memref_squeeze %gather3A_562 : memref<1x1x32x128xf32, #tpu.memory_space<vmem>> -> memref<32x128xf32, #tpu.memory_space<vmem>>
      %gather3A_564 = tpu.vector_load_idx %gather3A_563[%iota3A, %broadcast_in_dim3A_558] : memref<32x128xf32, #tpu.memory_space<vmem>>[vector<16xi32>, vector<16xi32>], vector<16xf32>,
      %swap3A_565 = arith.constant 1 : i32
      %swap3A_566 = arith.index_cast %and3A_353 : i32 to index
      %swap3A_567 = arith.index_cast %swap3A_565 : i32 to index
      %swap3A_568 = arith.constant 0 : index
      %swap3A_569 = tpu.vector_load %arg11[%swap3A_566, %swap3A_567, %swap3A_568] {strides = array<i32>} : memref<2x8x48xf32, #tpu.memory_space<vmem>>, vector<16xf32>,
      tpu.vector_store %arg11[%swap3A_566, %swap3A_567, %swap3A_568], %gather3A_564 {strides = array<i32>} : memref<2x8x48xf32, #tpu.memory_space<vmem>>, vector<16xf32>,
      %add3A_570 = arith.constant 16 : i32
      %add3A_571 = vector.broadcast %add3A_570 : i32 to vector<16xi32>
      %add3A_572 = arith.addi %iota3A, %add3A_571 : vector<16xi32>
      %gather3A_573 = arith.constant 1 : i32
      %gather3A_574 = arith.constant 0 : i32
      %gather3A_575 = arith.constant 0 : i32
      %gather3A_576 = tpu.memref_slice %arg9[%and3A_353, %gather3A_573, %gather3A_574, %gather3A_575] : memref<2x8x32x128xf32, #tpu.memory_space<vmem>> -> memref<1x1x32x128xf32, #tpu.memory_space<vmem>>
      %gather3A_577 = tpu.memref_squeeze %gather3A_576 : memref<1x1x32x128xf32, #tpu.memory_space<vmem>> -> memref<32x128xf32, #tpu.memory_space<vmem>>
      %gather3A_578 = tpu.vector_load_idx %gather3A_577[%add3A_572, %broadcast_in_dim3A_558] : memref<32x128xf32, #tpu.memory_space<vmem>>[vector<16xi32>, vector<16xi32>], vector<16xf32>,
      %swap3A_579 = arith.constant 1 : i32
      %swap3A_580 = arith.index_cast %and3A_353 : i32 to index
      %swap3A_581 = arith.index_cast %swap3A_579 : i32 to index
      %swap3A_582 = arith.constant 16 : index
      %swap3A_583 = tpu.vector_load %arg11[%swap3A_580, %swap3A_581, %swap3A_582] {strides = array<i32>} : memref<2x8x48xf32, #tpu.memory_space<vmem>>, vector<16xf32>,
      tpu.vector_store %arg11[%swap3A_580, %swap3A_581, %swap3A_582], %gather3A_578 {strides = array<i32>} : memref<2x8x48xf32, #tpu.memory_space<vmem>>, vector<16xf32>,
      %slice3A_584 = vector.extract_strided_slice %and3A_379 {offsets = [1], sizes = [1], strides = [1]} : vector<16xi32> to vector<1xi32>
      %squeeze3A_585 = vector.extract %slice3A_584[0] : i32 from vector<1xi32>
      %get3A_586 = arith.constant 1 : i32
      %get3A_587 = arith.index_cast %and3A_353 : i32 to index
      %get3A_588 = arith.index_cast %get3A_586 : i32 to index
      %get3A_589 = arith.index_cast %squeeze3A_585 : i32 to index
      %get3A_590 = arith.constant 0 : index
      %get3A_591 = tpu.vector_load %arg10[%get3A_587, %get3A_588, %get3A_589, %get3A_590] {strides = array<i32>} : memref<2x8x8x16xf32, #tpu.memory_space<vmem>>, vector<16xf32>,
      %swap3A_592 = arith.constant 1 : i32
      %swap3A_593 = arith.index_cast %and3A_353 : i32 to index
      %swap3A_594 = arith.index_cast %swap3A_592 : i32 to index
      %swap3A_595 = arith.constant 32 : index
      %swap3A_596 = tpu.vector_load %arg11[%swap3A_593, %swap3A_594, %swap3A_595] {strides = array<i32>} : memref<2x8x48xf32, #tpu.memory_space<vmem>>, vector<16xf32>,
      tpu.vector_store %arg11[%swap3A_593, %swap3A_594, %swap3A_595], %get3A_591 {strides = array<i32>} : memref<2x8x48xf32, #tpu.memory_space<vmem>>, vector<16xf32>,
      %slice3A_597 = vector.extract_strided_slice %and3A_372 {offsets = [2], sizes = [1], strides = [1]} : vector<16xi32> to vector<1xi32>
      %squeeze3A_598 = vector.extract %slice3A_597[0] : i32 from vector<1xi32>
      %broadcast_in_dim3A_599 = vector.broadcast %squeeze3A_598 : i32 to vector<16xi32>
      %gather3A_600 = arith.constant 2 : i32
      %gather3A_601 = arith.constant 0 : i32
      %gather3A_602 = arith.constant 0 : i32
      %gather3A_603 = tpu.memref_slice %arg9[%and3A_353, %gather3A_600, %gather3A_601, %gather3A_602] : memref<2x8x32x128xf32, #tpu.memory_space<vmem>> -> memref<1x1x32x128xf32, #tpu.memory_space<vmem>>
      %gather3A_604 = tpu.memref_squeeze %gather3A_603 : memref<1x1x32x128xf32, #tpu.memory_space<vmem>> -> memref<32x128xf32, #tpu.memory_space<vmem>>
      %gather3A_605 = tpu.vector_load_idx %gather3A_604[%iota3A, %broadcast_in_dim3A_599] : memref<32x128xf32, #tpu.memory_space<vmem>>[vector<16xi32>, vector<16xi32>], vector<16xf32>,
      %swap3A_606 = arith.constant 2 : i32
      %swap3A_607 = arith.index_cast %and3A_353 : i32 to index
      %swap3A_608 = arith.index_cast %swap3A_606 : i32 to index
      %swap3A_609 = arith.constant 0 : index
      %swap3A_610 = tpu.vector_load %arg11[%swap3A_607, %swap3A_608, %swap3A_609] {strides = array<i32>} : memref<2x8x48xf32, #tpu.memory_space<vmem>>, vector<16xf32>,
      tpu.vector_store %arg11[%swap3A_607, %swap3A_608, %swap3A_609], %gather3A_605 {strides = array<i32>} : memref<2x8x48xf32, #tpu.memory_space<vmem>>, vector<16xf32>,
      %add3A_611 = arith.constant 16 : i32
      %add3A_612 = vector.broadcast %add3A_611 : i32 to vector<16xi32>
      %add3A_613 = arith.addi %iota3A, %add3A_612 : vector<16xi32>
      %gather3A_614 = arith.constant 2 : i32
      %gather3A_615 = arith.constant 0 : i32
      %gather3A_616 = arith.constant 0 : i32
      %gather3A_617 = tpu.memref_slice %arg9[%and3A_353, %gather3A_614, %gather3A_615, %gather3A_616] : memref<2x8x32x128xf32, #tpu.memory_space<vmem>> -> memref<1x1x32x128xf32, #tpu.memory_space<vmem>>
      %gather3A_618 = tpu.memref_squeeze %gather3A_617 : memref<1x1x32x128xf32, #tpu.memory_space<vmem>> -> memref<32x128xf32, #tpu.memory_space<vmem>>
      %gather3A_619 = tpu.vector_load_idx %gather3A_618[%add3A_613, %broadcast_in_dim3A_599] : memref<32x128xf32, #tpu.memory_space<vmem>>[vector<16xi32>, vector<16xi32>], vector<16xf32>,
      %swap3A_620 = arith.constant 2 : i32
      %swap3A_621 = arith.index_cast %and3A_353 : i32 to index
      %swap3A_622 = arith.index_cast %swap3A_620 : i32 to index
      %swap3A_623 = arith.constant 16 : index
      %swap3A_624 = tpu.vector_load %arg11[%swap3A_621, %swap3A_622, %swap3A_623] {strides = array<i32>} : memref<2x8x48xf32, #tpu.memory_space<vmem>>, vector<16xf32>,
      tpu.vector_store %arg11[%swap3A_621, %swap3A_622, %swap3A_623], %gather3A_619 {strides = array<i32>} : memref<2x8x48xf32, #tpu.memory_space<vmem>>, vector<16xf32>,
      %slice3A_625 = vector.extract_strided_slice %and3A_379 {offsets = [2], sizes = [1], strides = [1]} : vector<16xi32> to vector<1xi32>
      %squeeze3A_626 = vector.extract %slice3A_625[0] : i32 from vector<1xi32>
      %get3A_627 = arith.constant 2 : i32
      %get3A_628 = arith.index_cast %and3A_353 : i32 to index
      %get3A_629 = arith.index_cast %get3A_627 : i32 to index
      %get3A_630 = arith.index_cast %squeeze3A_626 : i32 to index
      %get3A_631 = arith.constant 0 : index
      %get3A_632 = tpu.vector_load %arg10[%get3A_628, %get3A_629, %get3A_630, %get3A_631] {strides = array<i32>} : memref<2x8x8x16xf32, #tpu.memory_space<vmem>>, vector<16xf32>,
      %swap3A_633 = arith.constant 2 : i32
      %swap3A_634 = arith.index_cast %and3A_353 : i32 to index
      %swap3A_635 = arith.index_cast %swap3A_633 : i32 to index
      %swap3A_636 = arith.constant 32 : index
      %swap3A_637 = tpu.vector_load %arg11[%swap3A_634, %swap3A_635, %swap3A_636] {strides = array<i32>} : memref<2x8x48xf32, #tpu.memory_space<vmem>>, vector<16xf32>,
      tpu.vector_store %arg11[%swap3A_634, %swap3A_635, %swap3A_636], %get3A_632 {strides = array<i32>} : memref<2x8x48xf32, #tpu.memory_space<vmem>>, vector<16xf32>,
      %slice3A_638 = vector.extract_strided_slice %and3A_372 {offsets = [3], sizes = [1], strides = [1]} : vector<16xi32> to vector<1xi32>
      %squeeze3A_639 = vector.extract %slice3A_638[0] : i32 from vector<1xi32>
      %broadcast_in_dim3A_640 = vector.broadcast %squeeze3A_639 : i32 to vector<16xi32>
      %gather3A_641 = arith.constant 3 : i32
      %gather3A_642 = arith.constant 0 : i32
      %gather3A_643 = arith.constant 0 : i32
      %gather3A_644 = tpu.memref_slice %arg9[%and3A_353, %gather3A_641, %gather3A_642, %gather3A_643] : memref<2x8x32x128xf32, #tpu.memory_space<vmem>> -> memref<1x1x32x128xf32, #tpu.memory_space<vmem>>
      %gather3A_645 = tpu.memref_squeeze %gather3A_644 : memref<1x1x32x128xf32, #tpu.memory_space<vmem>> -> memref<32x128xf32, #tpu.memory_space<vmem>>
      %gather3A_646 = tpu.vector_load_idx %gather3A_645[%iota3A, %broadcast_in_dim3A_640] : memref<32x128xf32, #tpu.memory_space<vmem>>[vector<16xi32>, vector<16xi32>], vector<16xf32>,
      %swap3A_647 = arith.constant 3 : i32
      %swap3A_648 = arith.index_cast %and3A_353 : i32 to index
      %swap3A_649 = arith.index_cast %swap3A_647 : i32 to index
      %swap3A_650 = arith.constant 0 : index
      %swap3A_651 = tpu.vector_load %arg11[%swap3A_648, %swap3A_649, %swap3A_650] {strides = array<i32>} : memref<2x8x48xf32, #tpu.memory_space<vmem>>, vector<16xf32>,
      tpu.vector_store %arg11[%swap3A_648, %swap3A_649, %swap3A_650], %gather3A_646 {strides = array<i32>} : memref<2x8x48xf32, #tpu.memory_space<vmem>>, vector<16xf32>,
      %add3A_652 = arith.constant 16 : i32
      %add3A_653 = vector.broadcast %add3A_652 : i32 to vector<16xi32>
      %add3A_654 = arith.addi %iota3A, %add3A_653 : vector<16xi32>
      %gather3A_655 = arith.constant 3 : i32
      %gather3A_656 = arith.constant 0 : i32
      %gather3A_657 = arith.constant 0 : i32
      %gather3A_658 = tpu.memref_slice %arg9[%and3A_353, %gather3A_655, %gather3A_656, %gather3A_657] : memref<2x8x32x128xf32, #tpu.memory_space<vmem>> -> memref<1x1x32x128xf32, #tpu.memory_space<vmem>>
      %gather3A_659 = tpu.memref_squeeze %gather3A_658 : memref<1x1x32x128xf32, #tpu.memory_space<vmem>> -> memref<32x128xf32, #tpu.memory_space<vmem>>
      %gather3A_660 = tpu.vector_load_idx %gather3A_659[%add3A_654, %broadcast_in_dim3A_640] : memref<32x128xf32, #tpu.memory_space<vmem>>[vector<16xi32>, vector<16xi32>], vector<16xf32>,
      %swap3A_661 = arith.constant 3 : i32
      %swap3A_662 = arith.index_cast %and3A_353 : i32 to index
      %swap3A_663 = arith.index_cast %swap3A_661 : i32 to index
      %swap3A_664 = arith.constant 16 : index
      %swap3A_665 = tpu.vector_load %arg11[%swap3A_662, %swap3A_663, %swap3A_664] {strides = array<i32>} : memref<2x8x48xf32, #tpu.memory_space<vmem>>, vector<16xf32>,
      tpu.vector_store %arg11[%swap3A_662, %swap3A_663, %swap3A_664], %gather3A_660 {strides = array<i32>} : memref<2x8x48xf32, #tpu.memory_space<vmem>>, vector<16xf32>,
      %slice3A_666 = vector.extract_strided_slice %and3A_379 {offsets = [3], sizes = [1], strides = [1]} : vector<16xi32> to vector<1xi32>
      %squeeze3A_667 = vector.extract %slice3A_666[0] : i32 from vector<1xi32>
      %get3A_668 = arith.constant 3 : i32
      %get3A_669 = arith.index_cast %and3A_353 : i32 to index
      %get3A_670 = arith.index_cast %get3A_668 : i32 to index
      %get3A_671 = arith.index_cast %squeeze3A_667 : i32 to index
      %get3A_672 = arith.constant 0 : index
      %get3A_673 = tpu.vector_load %arg10[%get3A_669, %get3A_670, %get3A_671, %get3A_672] {strides = array<i32>} : memref<2x8x8x16xf32, #tpu.memory_space<vmem>>, vector<16xf32>,
      %swap3A_674 = arith.constant 3 : i32
      %swap3A_675 = arith.index_cast %and3A_353 : i32 to index
      %swap3A_676 = arith.index_cast %swap3A_674 : i32 to index
      %swap3A_677 = arith.constant 32 : index
      %swap3A_678 = tpu.vector_load %arg11[%swap3A_675, %swap3A_676, %swap3A_677] {strides = array<i32>} : memref<2x8x48xf32, #tpu.memory_space<vmem>>, vector<16xf32>,
      tpu.vector_store %arg11[%swap3A_675, %swap3A_676, %swap3A_677], %get3A_673 {strides = array<i32>} : memref<2x8x48xf32, #tpu.memory_space<vmem>>, vector<16xf32>,
      %slice3A_679 = vector.extract_strided_slice %and3A_372 {offsets = [4], sizes = [1], strides = [1]} : vector<16xi32> to vector<1xi32>
      %squeeze3A_680 = vector.extract %slice3A_679[0] : i32 from vector<1xi32>
      %broadcast_in_dim3A_681 = vector.broadcast %squeeze3A_680 : i32 to vector<16xi32>
      %gather3A_682 = arith.constant 4 : i32
      %gather3A_683 = arith.constant 0 : i32
      %gather3A_684 = arith.constant 0 : i32
      %gather3A_685 = tpu.memref_slice %arg9[%and3A_353, %gather3A_682, %gather3A_683, %gather3A_684] : memref<2x8x32x128xf32, #tpu.memory_space<vmem>> -> memref<1x1x32x128xf32, #tpu.memory_space<vmem>>
      %gather3A_686 = tpu.memref_squeeze %gather3A_685 : memref<1x1x32x128xf32, #tpu.memory_space<vmem>> -> memref<32x128xf32, #tpu.memory_space<vmem>>
      %gather3A_687 = tpu.vector_load_idx %gather3A_686[%iota3A, %broadcast_in_dim3A_681] : memref<32x128xf32, #tpu.memory_space<vmem>>[vector<16xi32>, vector<16xi32>], vector<16xf32>,
      %swap3A_688 = arith.constant 4 : i32
      %swap3A_689 = arith.index_cast %and3A_353 : i32 to index
      %swap3A_690 = arith.index_cast %swap3A_688 : i32 to index
      %swap3A_691 = arith.constant 0 : index
      %swap3A_692 = tpu.vector_load %arg11[%swap3A_689, %swap3A_690, %swap3A_691] {strides = array<i32>} : memref<2x8x48xf32, #tpu.memory_space<vmem>>, vector<16xf32>,
      tpu.vector_store %arg11[%swap3A_689, %swap3A_690, %swap3A_691], %gather3A_687 {strides = array<i32>} : memref<2x8x48xf32, #tpu.memory_space<vmem>>, vector<16xf32>,
      %add3A_693 = arith.constant 16 : i32
      %add3A_694 = vector.broadcast %add3A_693 : i32 to vector<16xi32>
      %add3A_695 = arith.addi %iota3A, %add3A_694 : vector<16xi32>
      %gather3A_696 = arith.constant 4 : i32
      %gather3A_697 = arith.constant 0 : i32
      %gather3A_698 = arith.constant 0 : i32
      %gather3A_699 = tpu.memref_slice %arg9[%and3A_353, %gather3A_696, %gather3A_697, %gather3A_698] : memref<2x8x32x128xf32, #tpu.memory_space<vmem>> -> memref<1x1x32x128xf32, #tpu.memory_space<vmem>>
      %gather3A_700 = tpu.memref_squeeze %gather3A_699 : memref<1x1x32x128xf32, #tpu.memory_space<vmem>> -> memref<32x128xf32, #tpu.memory_space<vmem>>
      %gather3A_701 = tpu.vector_load_idx %gather3A_700[%add3A_695, %broadcast_in_dim3A_681] : memref<32x128xf32, #tpu.memory_space<vmem>>[vector<16xi32>, vector<16xi32>], vector<16xf32>,
      %swap3A_702 = arith.constant 4 : i32
      %swap3A_703 = arith.index_cast %and3A_353 : i32 to index
      %swap3A_704 = arith.index_cast %swap3A_702 : i32 to index
      %swap3A_705 = arith.constant 16 : index
      %swap3A_706 = tpu.vector_load %arg11[%swap3A_703, %swap3A_704, %swap3A_705] {strides = array<i32>} : memref<2x8x48xf32, #tpu.memory_space<vmem>>, vector<16xf32>,
      tpu.vector_store %arg11[%swap3A_703, %swap3A_704, %swap3A_705], %gather3A_701 {strides = array<i32>} : memref<2x8x48xf32, #tpu.memory_space<vmem>>, vector<16xf32>,
      %slice3A_707 = vector.extract_strided_slice %and3A_379 {offsets = [4], sizes = [1], strides = [1]} : vector<16xi32> to vector<1xi32>
      %squeeze3A_708 = vector.extract %slice3A_707[0] : i32 from vector<1xi32>
      %get3A_709 = arith.constant 4 : i32
      %get3A_710 = arith.index_cast %and3A_353 : i32 to index
      %get3A_711 = arith.index_cast %get3A_709 : i32 to index
      %get3A_712 = arith.index_cast %squeeze3A_708 : i32 to index
      %get3A_713 = arith.constant 0 : index
      %get3A_714 = tpu.vector_load %arg10[%get3A_710, %get3A_711, %get3A_712, %get3A_713] {strides = array<i32>} : memref<2x8x8x16xf32, #tpu.memory_space<vmem>>, vector<16xf32>,
      %swap3A_715 = arith.constant 4 : i32
      %swap3A_716 = arith.index_cast %and3A_353 : i32 to index
      %swap3A_717 = arith.index_cast %swap3A_715 : i32 to index
      %swap3A_718 = arith.constant 32 : index
      %swap3A_719 = tpu.vector_load %arg11[%swap3A_716, %swap3A_717, %swap3A_718] {strides = array<i32>} : memref<2x8x48xf32, #tpu.memory_space<vmem>>, vector<16xf32>,
      tpu.vector_store %arg11[%swap3A_716, %swap3A_717, %swap3A_718], %get3A_714 {strides = array<i32>} : memref<2x8x48xf32, #tpu.memory_space<vmem>>, vector<16xf32>,
      %slice3A_720 = vector.extract_strided_slice %and3A_372 {offsets = [5], sizes = [1], strides = [1]} : vector<16xi32> to vector<1xi32>
      %squeeze3A_721 = vector.extract %slice3A_720[0] : i32 from vector<1xi32>
      %broadcast_in_dim3A_722 = vector.broadcast %squeeze3A_721 : i32 to vector<16xi32>
      %gather3A_723 = arith.constant 5 : i32
      %gather3A_724 = arith.constant 0 : i32
      %gather3A_725 = arith.constant 0 : i32
      %gather3A_726 = tpu.memref_slice %arg9[%and3A_353, %gather3A_723, %gather3A_724, %gather3A_725] : memref<2x8x32x128xf32, #tpu.memory_space<vmem>> -> memref<1x1x32x128xf32, #tpu.memory_space<vmem>>
      %gather3A_727 = tpu.memref_squeeze %gather3A_726 : memref<1x1x32x128xf32, #tpu.memory_space<vmem>> -> memref<32x128xf32, #tpu.memory_space<vmem>>
      %gather3A_728 = tpu.vector_load_idx %gather3A_727[%iota3A, %broadcast_in_dim3A_722] : memref<32x128xf32, #tpu.memory_space<vmem>>[vector<16xi32>, vector<16xi32>], vector<16xf32>,
      %swap3A_729 = arith.constant 5 : i32
      %swap3A_730 = arith.index_cast %and3A_353 : i32 to index
      %swap3A_731 = arith.index_cast %swap3A_729 : i32 to index
      %swap3A_732 = arith.constant 0 : index
      %swap3A_733 = tpu.vector_load %arg11[%swap3A_730, %swap3A_731, %swap3A_732] {strides = array<i32>} : memref<2x8x48xf32, #tpu.memory_space<vmem>>, vector<16xf32>,
      tpu.vector_store %arg11[%swap3A_730, %swap3A_731, %swap3A_732], %gather3A_728 {strides = array<i32>} : memref<2x8x48xf32, #tpu.memory_space<vmem>>, vector<16xf32>,
      %add3A_734 = arith.constant 16 : i32
      %add3A_735 = vector.broadcast %add3A_734 : i32 to vector<16xi32>
      %add3A_736 = arith.addi %iota3A, %add3A_735 : vector<16xi32>
      %gather3A_737 = arith.constant 5 : i32
      %gather3A_738 = arith.constant 0 : i32
      %gather3A_739 = arith.constant 0 : i32
      %gather3A_740 = tpu.memref_slice %arg9[%and3A_353, %gather3A_737, %gather3A_738, %gather3A_739] : memref<2x8x32x128xf32, #tpu.memory_space<vmem>> -> memref<1x1x32x128xf32, #tpu.memory_space<vmem>>
      %gather3A_741 = tpu.memref_squeeze %gather3A_740 : memref<1x1x32x128xf32, #tpu.memory_space<vmem>> -> memref<32x128xf32, #tpu.memory_space<vmem>>
      %gather3A_742 = tpu.vector_load_idx %gather3A_741[%add3A_736, %broadcast_in_dim3A_722] : memref<32x128xf32, #tpu.memory_space<vmem>>[vector<16xi32>, vector<16xi32>], vector<16xf32>,
      %swap3A_743 = arith.constant 5 : i32
      %swap3A_744 = arith.index_cast %and3A_353 : i32 to index
      %swap3A_745 = arith.index_cast %swap3A_743 : i32 to index
      %swap3A_746 = arith.constant 16 : index
      %swap3A_747 = tpu.vector_load %arg11[%swap3A_744, %swap3A_745, %swap3A_746] {strides = array<i32>} : memref<2x8x48xf32, #tpu.memory_space<vmem>>, vector<16xf32>,
      tpu.vector_store %arg11[%swap3A_744, %swap3A_745, %swap3A_746], %gather3A_742 {strides = array<i32>} : memref<2x8x48xf32, #tpu.memory_space<vmem>>, vector<16xf32>,
      %slice3A_748 = vector.extract_strided_slice %and3A_379 {offsets = [5], sizes = [1], strides = [1]} : vector<16xi32> to vector<1xi32>
      %squeeze3A_749 = vector.extract %slice3A_748[0] : i32 from vector<1xi32>
      %get3A_750 = arith.constant 5 : i32
      %get3A_751 = arith.index_cast %and3A_353 : i32 to index
      %get3A_752 = arith.index_cast %get3A_750 : i32 to index
      %get3A_753 = arith.index_cast %squeeze3A_749 : i32 to index
      %get3A_754 = arith.constant 0 : index
      %get3A_755 = tpu.vector_load %arg10[%get3A_751, %get3A_752, %get3A_753, %get3A_754] {strides = array<i32>} : memref<2x8x8x16xf32, #tpu.memory_space<vmem>>, vector<16xf32>,
      %swap3A_756 = arith.constant 5 : i32
      %swap3A_757 = arith.index_cast %and3A_353 : i32 to index
      %swap3A_758 = arith.index_cast %swap3A_756 : i32 to index
      %swap3A_759 = arith.constant 32 : index
      %swap3A_760 = tpu.vector_load %arg11[%swap3A_757, %swap3A_758, %swap3A_759] {strides = array<i32>} : memref<2x8x48xf32, #tpu.memory_space<vmem>>, vector<16xf32>,
      tpu.vector_store %arg11[%swap3A_757, %swap3A_758, %swap3A_759], %get3A_755 {strides = array<i32>} : memref<2x8x48xf32, #tpu.memory_space<vmem>>, vector<16xf32>,
      %slice3A_761 = vector.extract_strided_slice %and3A_372 {offsets = [6], sizes = [1], strides = [1]} : vector<16xi32> to vector<1xi32>
      %squeeze3A_762 = vector.extract %slice3A_761[0] : i32 from vector<1xi32>
      %broadcast_in_dim3A_763 = vector.broadcast %squeeze3A_762 : i32 to vector<16xi32>
      %gather3A_764 = arith.constant 6 : i32
      %gather3A_765 = arith.constant 0 : i32
      %gather3A_766 = arith.constant 0 : i32
      %gather3A_767 = tpu.memref_slice %arg9[%and3A_353, %gather3A_764, %gather3A_765, %gather3A_766] : memref<2x8x32x128xf32, #tpu.memory_space<vmem>> -> memref<1x1x32x128xf32, #tpu.memory_space<vmem>>
      %gather3A_768 = tpu.memref_squeeze %gather3A_767 : memref<1x1x32x128xf32, #tpu.memory_space<vmem>> -> memref<32x128xf32, #tpu.memory_space<vmem>>
      %gather3A_769 = tpu.vector_load_idx %gather3A_768[%iota3A, %broadcast_in_dim3A_763] : memref<32x128xf32, #tpu.memory_space<vmem>>[vector<16xi32>, vector<16xi32>], vector<16xf32>,
      %swap3A_770 = arith.constant 6 : i32
      %swap3A_771 = arith.index_cast %and3A_353 : i32 to index
      %swap3A_772 = arith.index_cast %swap3A_770 : i32 to index
      %swap3A_773 = arith.constant 0 : index
      %swap3A_774 = tpu.vector_load %arg11[%swap3A_771, %swap3A_772, %swap3A_773] {strides = array<i32>} : memref<2x8x48xf32, #tpu.memory_space<vmem>>, vector<16xf32>,
      tpu.vector_store %arg11[%swap3A_771, %swap3A_772, %swap3A_773], %gather3A_769 {strides = array<i32>} : memref<2x8x48xf32, #tpu.memory_space<vmem>>, vector<16xf32>,
      %add3A_775 = arith.constant 16 : i32
      %add3A_776 = vector.broadcast %add3A_775 : i32 to vector<16xi32>
      %add3A_777 = arith.addi %iota3A, %add3A_776 : vector<16xi32>
      %gather3A_778 = arith.constant 6 : i32
      %gather3A_779 = arith.constant 0 : i32
      %gather3A_780 = arith.constant 0 : i32
      %gather3A_781 = tpu.memref_slice %arg9[%and3A_353, %gather3A_778, %gather3A_779, %gather3A_780] : memref<2x8x32x128xf32, #tpu.memory_space<vmem>> -> memref<1x1x32x128xf32, #tpu.memory_space<vmem>>
      %gather3A_782 = tpu.memref_squeeze %gather3A_781 : memref<1x1x32x128xf32, #tpu.memory_space<vmem>> -> memref<32x128xf32, #tpu.memory_space<vmem>>
      %gather3A_783 = tpu.vector_load_idx %gather3A_782[%add3A_777, %broadcast_in_dim3A_763] : memref<32x128xf32, #tpu.memory_space<vmem>>[vector<16xi32>, vector<16xi32>], vector<16xf32>,
      %swap3A_784 = arith.constant 6 : i32
      %swap3A_785 = arith.index_cast %and3A_353 : i32 to index
      %swap3A_786 = arith.index_cast %swap3A_784 : i32 to index
      %swap3A_787 = arith.constant 16 : index
      %swap3A_788 = tpu.vector_load %arg11[%swap3A_785, %swap3A_786, %swap3A_787] {strides = array<i32>} : memref<2x8x48xf32, #tpu.memory_space<vmem>>, vector<16xf32>,
      tpu.vector_store %arg11[%swap3A_785, %swap3A_786, %swap3A_787], %gather3A_783 {strides = array<i32>} : memref<2x8x48xf32, #tpu.memory_space<vmem>>, vector<16xf32>,
      %slice3A_789 = vector.extract_strided_slice %and3A_379 {offsets = [6], sizes = [1], strides = [1]} : vector<16xi32> to vector<1xi32>
      %squeeze3A_790 = vector.extract %slice3A_789[0] : i32 from vector<1xi32>
      %get3A_791 = arith.constant 6 : i32
      %get3A_792 = arith.index_cast %and3A_353 : i32 to index
      %get3A_793 = arith.index_cast %get3A_791 : i32 to index
      %get3A_794 = arith.index_cast %squeeze3A_790 : i32 to index
      %get3A_795 = arith.constant 0 : index
      %get3A_796 = tpu.vector_load %arg10[%get3A_792, %get3A_793, %get3A_794, %get3A_795] {strides = array<i32>} : memref<2x8x8x16xf32, #tpu.memory_space<vmem>>, vector<16xf32>,
      %swap3A_797 = arith.constant 6 : i32
      %swap3A_798 = arith.index_cast %and3A_353 : i32 to index
      %swap3A_799 = arith.index_cast %swap3A_797 : i32 to index
      %swap3A_800 = arith.constant 32 : index
      %swap3A_801 = tpu.vector_load %arg11[%swap3A_798, %swap3A_799, %swap3A_800] {strides = array<i32>} : memref<2x8x48xf32, #tpu.memory_space<vmem>>, vector<16xf32>,
      tpu.vector_store %arg11[%swap3A_798, %swap3A_799, %swap3A_800], %get3A_796 {strides = array<i32>} : memref<2x8x48xf32, #tpu.memory_space<vmem>>, vector<16xf32>,
      %slice3A_802 = vector.extract_strided_slice %and3A_372 {offsets = [7], sizes = [1], strides = [1]} : vector<16xi32> to vector<1xi32>
      %squeeze3A_803 = vector.extract %slice3A_802[0] : i32 from vector<1xi32>
      %broadcast_in_dim3A_804 = vector.broadcast %squeeze3A_803 : i32 to vector<16xi32>
      %gather3A_805 = arith.constant 7 : i32
      %gather3A_806 = arith.constant 0 : i32
      %gather3A_807 = arith.constant 0 : i32
      %gather3A_808 = tpu.memref_slice %arg9[%and3A_353, %gather3A_805, %gather3A_806, %gather3A_807] : memref<2x8x32x128xf32, #tpu.memory_space<vmem>> -> memref<1x1x32x128xf32, #tpu.memory_space<vmem>>
      %gather3A_809 = tpu.memref_squeeze %gather3A_808 : memref<1x1x32x128xf32, #tpu.memory_space<vmem>> -> memref<32x128xf32, #tpu.memory_space<vmem>>
      %gather3A_810 = tpu.vector_load_idx %gather3A_809[%iota3A, %broadcast_in_dim3A_804] : memref<32x128xf32, #tpu.memory_space<vmem>>[vector<16xi32>, vector<16xi32>], vector<16xf32>,
      %swap3A_811 = arith.constant 7 : i32
      %swap3A_812 = arith.index_cast %and3A_353 : i32 to index
      %swap3A_813 = arith.index_cast %swap3A_811 : i32 to index
      %swap3A_814 = arith.constant 0 : index
      %swap3A_815 = tpu.vector_load %arg11[%swap3A_812, %swap3A_813, %swap3A_814] {strides = array<i32>} : memref<2x8x48xf32, #tpu.memory_space<vmem>>, vector<16xf32>,
      tpu.vector_store %arg11[%swap3A_812, %swap3A_813, %swap3A_814], %gather3A_810 {strides = array<i32>} : memref<2x8x48xf32, #tpu.memory_space<vmem>>, vector<16xf32>,
      %add3A_816 = arith.constant 16 : i32
      %add3A_817 = vector.broadcast %add3A_816 : i32 to vector<16xi32>
      %add3A_818 = arith.addi %iota3A, %add3A_817 : vector<16xi32>
      %gather3A_819 = arith.constant 7 : i32
      %gather3A_820 = arith.constant 0 : i32
      %gather3A_821 = arith.constant 0 : i32
      %gather3A_822 = tpu.memref_slice %arg9[%and3A_353, %gather3A_819, %gather3A_820, %gather3A_821] : memref<2x8x32x128xf32, #tpu.memory_space<vmem>> -> memref<1x1x32x128xf32, #tpu.memory_space<vmem>>
      %gather3A_823 = tpu.memref_squeeze %gather3A_822 : memref<1x1x32x128xf32, #tpu.memory_space<vmem>> -> memref<32x128xf32, #tpu.memory_space<vmem>>
      %gather3A_824 = tpu.vector_load_idx %gather3A_823[%add3A_818, %broadcast_in_dim3A_804] : memref<32x128xf32, #tpu.memory_space<vmem>>[vector<16xi32>, vector<16xi32>], vector<16xf32>,
      %swap3A_825 = arith.constant 7 : i32
      %swap3A_826 = arith.index_cast %and3A_353 : i32 to index
      %swap3A_827 = arith.index_cast %swap3A_825 : i32 to index
      %swap3A_828 = arith.constant 16 : index
      %swap3A_829 = tpu.vector_load %arg11[%swap3A_826, %swap3A_827, %swap3A_828] {strides = array<i32>} : memref<2x8x48xf32, #tpu.memory_space<vmem>>, vector<16xf32>,
      tpu.vector_store %arg11[%swap3A_826, %swap3A_827, %swap3A_828], %gather3A_824 {strides = array<i32>} : memref<2x8x48xf32, #tpu.memory_space<vmem>>, vector<16xf32>,
      %slice3A_830 = vector.extract_strided_slice %and3A_379 {offsets = [7], sizes = [1], strides = [1]} : vector<16xi32> to vector<1xi32>
      %squeeze3A_831 = vector.extract %slice3A_830[0] : i32 from vector<1xi32>
      %get3A_832 = arith.constant 7 : i32
      %get3A_833 = arith.index_cast %and3A_353 : i32 to index
      %get3A_834 = arith.index_cast %get3A_832 : i32 to index
      %get3A_835 = arith.index_cast %squeeze3A_831 : i32 to index
      %get3A_836 = arith.constant 0 : index
      %get3A_837 = tpu.vector_load %arg10[%get3A_833, %get3A_834, %get3A_835, %get3A_836] {strides = array<i32>} : memref<2x8x8x16xf32, #tpu.memory_space<vmem>>, vector<16xf32>,
      %swap3A_838 = arith.constant 7 : i32
      %swap3A_839 = arith.index_cast %and3A_353 : i32 to index
      %swap3A_840 = arith.index_cast %swap3A_838 : i32 to index
      %swap3A_841 = arith.constant 32 : index
      %swap3A_842 = tpu.vector_load %arg11[%swap3A_839, %swap3A_840, %swap3A_841] {strides = array<i32>} : memref<2x8x48xf32, #tpu.memory_space<vmem>>, vector<16xf32>,
      tpu.vector_store %arg11[%swap3A_839, %swap3A_840, %swap3A_841], %get3A_837 {strides = array<i32>} : memref<2x8x48xf32, #tpu.memory_space<vmem>>, vector<16xf32>,
      %mul3A_843 = arith.constant 8 : i32
      %mul3A_844 = arith.muli %add3A_352, %mul3A_843 : i32
      %add3A_845 = arith.addi %mul3A_2, %mul3A_844 : i32
      %dma_start3A_846 = arith.constant 0 : i32
      %dma_start3A_847 = arith.constant 0 : i32
      %dma_start3A_848 = tpu.memref_slice %arg11[%and3A_353, %dma_start3A_846, %dma_start3A_847] : memref<2x8x48xf32, #tpu.memory_space<vmem>> -> memref<1x8x48xf32, #tpu.memory_space<vmem>>
      %dma_start3A_849 = tpu.memref_squeeze %dma_start3A_848 : memref<1x8x48xf32, #tpu.memory_space<vmem>> -> memref<8x48xf32, #tpu.memory_space<vmem>>
      %dma_start3A_850 = arith.constant 0 : i32
      %dma_start3A_851 = tpu.memref_slice %arg6[%add3A_845, %dma_start3A_850] : memref<16384x48xf32, #tpu.memory_space<hbm>> -> memref<8x48xf32, #tpu.memory_space<hbm>>
      %dma_start3A_852 = arith.constant 0 : i32
      %dma_start3A_853 = tpu.memref_slice %arg6[%add3A_845, %dma_start3A_852] : memref<16384x48xf32, #tpu.memory_space<hbm>> -> memref<8x48xf32, #tpu.memory_space<hbm>>
      %dma_start3A_854 = arith.constant 0 : i32
      %dma_start3A_855 = arith.constant 0 : i32
      %dma_start3A_856 = tpu.memref_slice %arg11[%and3A_353, %dma_start3A_854, %dma_start3A_855] : memref<2x8x48xf32, #tpu.memory_space<vmem>> -> memref<1x8x48xf32, #tpu.memory_space<vmem>>
      %dma_start3A_857 = tpu.memref_squeeze %dma_start3A_856 : memref<1x8x48xf32, #tpu.memory_space<vmem>> -> memref<8x48xf32, #tpu.memory_space<vmem>>
      tpu.enqueue_dma source(%dma_start3A_857 : memref<8x48xf32, #tpu.memory_space<vmem>>) target(%dma_start3A_853 : memref<8x48xf32, #tpu.memory_space<hbm>>) target_semaphore(%arg14 : memref<!tpu.dma_semaphore, #tpu.memory_space<semaphore_mem>>)
    }
    %scan3A_322 = arith.constant 64 : i32
    %dma_wait3A = arith.constant 0 : i32
    %dma_wait3A_323 = arith.constant 0 : i32
    %dma_wait3A_324 = arith.constant 0 : i32
    %dma_wait3A_325 = tpu.memref_slice %arg11[%dma_wait3A, %dma_wait3A_323, %dma_wait3A_324] : memref<2x8x48xf32, #tpu.memory_space<vmem>> -> memref<1x8x48xf32, #tpu.memory_space<vmem>>
    %dma_wait3A_326 = tpu.memref_squeeze %dma_wait3A_325 : memref<1x8x48xf32, #tpu.memory_space<vmem>> -> memref<8x48xf32, #tpu.memory_space<vmem>>
    %dma_wait3A_327 = arith.constant 0 : i32
    %dma_wait3A_328 = tpu.memref_slice %arg6[%mul3A_2, %dma_wait3A_327] : memref<16384x48xf32, #tpu.memory_space<hbm>> -> memref<8x48xf32, #tpu.memory_space<hbm>>
    %dma_wait3A_329 = arith.constant 0 : i32
    %dma_wait3A_330 = tpu.memref_slice %arg6[%mul3A_2, %dma_wait3A_329] : memref<16384x48xf32, #tpu.memory_space<hbm>> -> memref<8x48xf32, #tpu.memory_space<hbm>>
    %dma_wait3A_331 = arith.constant 0 : i32
    %dma_wait3A_332 = arith.constant 0 : i32
    %dma_wait3A_333 = tpu.memref_slice %arg11[%dma_wait3A, %dma_wait3A_331, %dma_wait3A_332] : memref<2x8x48xf32, #tpu.memory_space<vmem>> -> memref<1x8x48xf32, #tpu.memory_space<vmem>>
    %dma_wait3A_334 = tpu.memref_squeeze %dma_wait3A_333 : memref<1x8x48xf32, #tpu.memory_space<vmem>> -> memref<8x48xf32, #tpu.memory_space<vmem>>
    tpu.wait_dma2 semaphore(%arg14 : memref<!tpu.dma_semaphore, #tpu.memory_space<semaphore_mem>>) src(%dma_wait3A_334 : memref<8x48xf32, #tpu.memory_space<vmem>>) dst(%dma_wait3A_330 : memref<8x48xf32, #tpu.memory_space<hbm>>)
    %dma_wait3A_335 = arith.constant 1 : i32
    %dma_wait3A_336 = arith.constant 0 : i32
    %dma_wait3A_337 = arith.constant 0 : i32
    %dma_wait3A_338 = tpu.memref_slice %arg11[%dma_wait3A_335, %dma_wait3A_336, %dma_wait3A_337] : memref<2x8x48xf32, #tpu.memory_space<vmem>> -> memref<1x8x48xf32, #tpu.memory_space<vmem>>
    %dma_wait3A_339 = tpu.memref_squeeze %dma_wait3A_338 : memref<1x8x48xf32, #tpu.memory_space<vmem>> -> memref<8x48xf32, #tpu.memory_space<vmem>>
    %dma_wait3A_340 = arith.constant 0 : i32
    %dma_wait3A_341 = tpu.memref_slice %arg6[%mul3A_2, %dma_wait3A_340] : memref<16384x48xf32, #tpu.memory_space<hbm>> -> memref<8x48xf32, #tpu.memory_space<hbm>>
    %dma_wait3A_342 = arith.constant 0 : i32
    %dma_wait3A_343 = tpu.memref_slice %arg6[%mul3A_2, %dma_wait3A_342] : memref<16384x48xf32, #tpu.memory_space<hbm>> -> memref<8x48xf32, #tpu.memory_space<hbm>>
    %dma_wait3A_344 = arith.constant 0 : i32
    %dma_wait3A_345 = arith.constant 0 : i32
    %dma_wait3A_346 = tpu.memref_slice %arg11[%dma_wait3A_335, %dma_wait3A_344, %dma_wait3A_345] : memref<2x8x48xf32, #tpu.memory_space<vmem>> -> memref<1x8x48xf32, #tpu.memory_space<vmem>>
    %dma_wait3A_347 = tpu.memref_squeeze %dma_wait3A_346 : memref<1x8x48xf32, #tpu.memory_space<vmem>> -> memref<8x48xf32, #tpu.memory_space<vmem>>
    tpu.wait_dma2 semaphore(%arg14 : memref<!tpu.dma_semaphore, #tpu.memory_space<semaphore_mem>>) src(%dma_wait3A_347 : memref<8x48xf32, #tpu.memory_space<vmem>>) dst(%dma_wait3A_343 : memref<8x48xf32, #tpu.memory_space<hbm>>)
    return
  }
}

</mosaic_0001>

<sc_bundles>
// kernel: kernel.3.cloned.1.call-start
scs
__scs_entry_jumppad:
0x0: {  	(pc) =	sbr.rel $0x88, $3  }
0x1: {  	(tag) =	ssettag $0x0;
	lr =	simm.s32 $0x1  }
0x2: {  	[smem:$0x3F9D] =	sst lr;
	_ =	strace $0xD0000000  }
0x3: {  	_ = 	snop  }
0x4: {  	_ = 	snop  }
0x5: {  	_ = 	snop  }
0x6: {  	_ = 	snop  }
0x7: {  	_ = 	snop  }
__scs_overlays_trampoline_lowered:
0x8: {  	[smem:$0x3FAC] =	sst s0  }
0x9: {  	[smem:$0x3FAD] =	sst s1  }
0xa: {  	[smem:$0x3FAE] =	sst s2  }
0xb: {  	[smem:$0x3FAF] =	sst s3  }
0xc: {  	[smem:$0x3FB0] =	sst s4  }
0xd: {  	[smem:$0x3FB1] =	sst s5  }
0xe: {  	[smem:$0x3FB2] =	sst s6  }
0xf: {  	[smem:$0x3FB3] =	sst s7  }
0x10: {  	[smem:$0x3FB4] =	sst s8  }
0x11: {  	[smem:$0x3FB5] =	sst s9;
	s0 =	simm.s32 @!p0 $0x0  }
0x12: {  	s1 =	sld [smem:$0x3F9B];
	s0 =	simm.s32 @p0 $0x1  }
0x13: {  	[smem:$0x3FB6] =	sst s0;
	s0 =	simm.s32 @!p1 $0x0  }
0x14: {  	s2 =	sld [smem:$0x3F9A];
	s0 =	simm.s32 @p1 $0x1  }
0x15: {  	[smem:$0x3FB7] =	sst s0;
	s0 =	simm.s32 @!p2 $0x0  }
0x16: {  	s3 =	sld [smem:$0x3FDB];
	s0 =	simm.s32 @p2 $0x1  }
0x17: {  	s4 =	simm.s32 $0x1BF5;
	[smem:$0x3FB9] =	sst s0  }
0x18: {  	s0 =	sld [smem:$0x3F9C];
	_ =	swait.ge [sflag:s4], $0x0  }
0x19: {  	s7 =	sld [smem:$0x3F9D]  }
0x1a: {  	s8 =	sadd.s32 $0xFFFFE003, lr  }
0x1b: {  	s9 =	sadd.s32 $0xFFFFFEF7, lr;
	s5 =	simm.s32 $0xFFFFFFFF;
	p2 =	slt.u32 s8, $0xFFFFF086  }
0x1c: {  	p1 =	slt.u32 s9, $0xF7A;
	s5 =	simm.s32 @!p2 $0x0  }
0x1d: {  	s5 =	simm.s32 @p1 $0x1;
	p0 =	seq.s32 s7, s2  }
0x1e: {  	s7 =	smul.u32 @!p0 $0xF7A, s2;
	p2 =	seq.s32 @!p0 s5, $0x0  }
0x1f: {  	s9 =	smul.u32 $0xF7A, s1;
	s8 =	simm.s32 @!p0 $0x1BF5;
	p2 =	por !p2, p0  }
0x20: {  	[sflag:s8] =	ssyncset.s32 @!p0 $0xFFFFF086;
	s6 =	sadd.s32 @!p0 s3, s7;
	s7 =	simm.s32 @!p0 $0x108  }
0x21: {  	s3 =	sadd.s32 s3, s9;
	s6 =	sadd.s32 @!p0 $0x88, s6;
	s7 =	simm.s32 @p2 $0x1082  }
0x22: {  	[simem:s7], [sflag:s8] =	dma.local @!p0 [hbm:s6], $0xF7A  }
0x23: {  	s9 =	sor.u32 $0xD0000000, s2;
	s6 =	simm.s32 $0x108;
	_ =	swait.ge @!p0 [sflag:s8], $0x0  }
0x24: {  	s3 =	sadd.s32 $0x88, s3;
	s6 =	simm.s32 @!p1 $0x1082;
	[sflag:s4] =	ssyncset.s32 $0xFFFFF086  }
0x25: {  	[simem:s6], [sflag:s4] =	dma.local [hbm:s3], $0xF7A  }
0x26: {  	[smem:$0x3F9D] =	sst s1;
	(tag) =	ssettag s2;
	_ =	strace s9  }
0x27: {  	s1 =	sld [smem:$0x3FAD]  }
0x28: {  	s2 =	sld [smem:$0x3FAE]  }
0x29: {  	s4 =	sld [smem:$0x3FB0]  }
0x2a: {  	p0 =	seq.s32 s5, $0x0;
	s5 =	sld [smem:$0x3FB1]  }
0x2b: {  	s6 =	sld [smem:$0x3FB2]  }
0x2c: {  	s7 =	sld [smem:$0x3FB3]  }
0x2d: {  	s3 =	simm.s32 $0x108;
	s8 =	sld [smem:$0x3FB4]  }
0x2e: {  	s3 =	simm.s32 @!p0 $0x1082;
	s9 =	sld [smem:$0x3FB5]  }
0x2f: {  	lr =	sadd.s32 s0, s3;
	s0 =	sld [smem:$0x3FAC]  }
0x30: {  	s3 =	sld [smem:$0x3FAF]  }
0x31: {  	[smem:$0x3FB8] =	sst s10  }
0x32: {  	s10 =	sld [smem:$0x3FB6];
	_ =	sdelay $0x3  }
0x33: {  	p0 =	seq.s32 s10, $0x1;
	s10 =	sld [smem:$0x3FB8];
	_ =	sdelay $0x3  }
0x34: {  	[smem:$0x3FB8] =	sst s10  }
0x35: {  	s10 =	sld [smem:$0x3FB7];
	_ =	sdelay $0x3  }
0x36: {  	p1 =	seq.s32 s10, $0x1;
	s10 =	sld [smem:$0x3FB8];
	_ =	sdelay $0x3  }
0x37: {  	[smem:$0x3FB8] =	sst s10  }
0x38: {  	s10 =	sld [smem:$0x3FB9]  }
0x39: {  	_ = 	snop;
	(pc) =	sbr.ind lr, $3  }
0x3a: {  	_ = 	snop  }
0x3b: {  	_ = 	snop  }
0x3c: {  	p2 =	seq.s32 s10, $0x1;
	s10 =	sld [smem:$0x3FB8]  }
0x3d: {  	_ =	shalt  }
0x3e: {  	_ =	shalt  }
0x3f: {  	_ =	shalt  }
0x40: {  	_ =	shalt  }
0x41: {  	_ =	shalt  }
0x42: {  	_ =	shalt  }
0x43: {  	_ =	shalt  }
0x44: {  	_ =	shalt  }
0x45: {  	_ =	shalt  }
0x46: {  	_ =	shalt  }
0x47: {  	_ =	shalt  }
0x48: {  	_ =	shalt  }
0x49: {  	_ =	shalt  }
0x4a: {  	_ =	shalt  }
0x4b: {  	_ =	shalt  }
0x4c: {  	_ =	shalt  }
0x4d: {  	_ =	shalt  }
0x4e: {  	_ =	shalt  }
0x4f: {  	_ =	shalt  }
0x50: {  	_ =	shalt  }
0x51: {  	_ =	shalt  }
0x52: {  	_ =	shalt  }
0x53: {  	_ =	shalt  }
0x54: {  	_ =	shalt  }
0x55: {  	_ =	shalt  }
0x56: {  	_ =	shalt  }
0x57: {  	_ =	shalt  }
0x58: {  	_ =	shalt  }
0x59: {  	_ =	shalt  }
0x5a: {  	_ =	shalt  }
0x5b: {  	_ =	shalt  }
0x5c: {  	_ =	shalt  }
0x5d: {  	_ =	shalt  }
0x5e: {  	_ =	shalt  }
0x5f: {  	_ =	shalt  }
0x60: {  	_ =	shalt  }
0x61: {  	_ =	shalt  }
0x62: {  	_ =	shalt  }
0x63: {  	_ =	shalt  }
0x64: {  	_ =	shalt  }
0x65: {  	_ =	shalt  }
0x66: {  	_ =	shalt  }
0x67: {  	_ =	shalt  }
0x68: {  	_ =	shalt  }
0x69: {  	_ =	shalt  }
0x6a: {  	_ =	shalt  }
0x6b: {  	_ =	shalt  }
0x6c: {  	_ =	shalt  }
0x6d: {  	_ =	shalt  }
0x6e: {  	_ =	shalt  }
0x6f: {  	_ =	shalt  }
0x70: {  	_ =	shalt  }
0x71: {  	_ =	shalt  }
0x72: {  	_ =	shalt  }
0x73: {  	_ =	shalt  }
0x74: {  	_ =	shalt  }
0x75: {  	_ =	shalt  }
0x76: {  	_ =	shalt  }
0x77: {  	_ =	shalt  }
0x78: {  	_ =	shalt  }
0x79: {  	_ =	shalt  }
0x7a: {  	_ =	shalt  }
0x7b: {  	_ =	shalt  }
0x7c: {  	_ =	shalt  }
0x7d: {  	_ =	shalt  }
0x7e: {  	_ =	shalt  }
0x7f: {  	_ =	shalt  }
0x80: {  	_ =	shalt  }
0x81: {  	_ =	shalt  }
0x82: {  	_ =	shalt  }
0x83: {  	_ =	shalt  }
0x84: {  	_ =	shalt  }
0x85: {  	_ =	shalt  }
0x86: {  	_ =	shalt  }
0x87: {  	_ =	shalt  }
.Lfunc_end0:
.L_simem_size_0:
called_computation_lowered:
.L_overlay_start_0:
0x88: {  	s2 =	sld [smem:$0x3FD9]  }
0x89: {  	s3 =	sld [smem:$0x3FFE];
	_ =	sdelay $0x1  }
0x8a: {  	s1 =	srdreg.scid  }
0x8b: {  	s0 =	sand.u32 $0x1, s1  }
0x8c: {  	s17 =	sshll.u32 s0, $0xA;
	s2 =	sadd.s32 s3, s2  }
0x8d: {  	s2 =	sadd.s32 s2, s17  }
0x8e: {  	[smem:$0x3FC4] =	sst s2  }
0x8f: {  	_ = 	snop  }
0x90: {  	s2 =	sld [smem:$0x3FC9]  }
0x91: {  	s18 =	sld [smem:$0x3FC8]  }
0x92: {  	s4 =	sld [smem:$0x3FC7];
	(tm) =	ssettm $0x1  }
0x93: {  	s5 =	sld [smem:$0x3FFB];
	_ =	sdelay $0x3  }
0x94: {  	_ =	strace s5  }
0x95: {  	s5 =	sld [smem:$0x3FFC];
	_ =	sdelay $0x3  }
0x96: {  	_ =	strace s5  }
0x97: {  	s5 =	sld [smem:$0x3FFD];
	_ =	sdelay $0x3  }
0x98: {  	_ =	strace s5  }
0x99: {  	_ =	strace $0x8FFFFFFF  }
0x9a: {  	s19 =	sld [smem:$0x3FDB];
	_ =	sdelay $0x1  }
0x9b: {  	s6 =	simm.s32 $_scs_section_size  }
0x9c: {  	s7 =	simm.s32 $_size__tile_overlayer_lowered;
	s8 =	simm.s32 $_tile_overlayer_lowered  }
0x9d: {  	s22 =	simm.s32 $0x1BFF;
	s21 =	sshll.u32 s8, $0x1;
	s5 =	sadd.s32 s6, s19  }
0x9e: {  	s9 =	simm.s32 $0x0;
	s20 =	sshll.u32 s7, $0x1;
	s7 =	sadd.s32 s21, s5  }
0x9f: {  	[timem:s9], [sflag:s22] =	dma.local [hbm:s7], s20  }
0xa0: {  	_ =	swait.ge [sflag:s22], s20  }
0xa1: {  	s6 =	ssub.s32 $0x0, s20;
	[sflag:s22] =	ssyncset.done $0x0  }
0xa2: {  	[sflag:s22] =	ssyncadd.s32 s6;
	_ =	sdelay $0x1  }
0xa3: {  	s23 =	simm.s32 $0x1B8B  }
0xa4: {  	_ =	swait.ge [sflag:s23], $0x1  }
0xa5: {  	[sflag:s23] =	ssyncset.done $0x0  }
0xa6: {  	s25 =	simm.s32 $0x1B8E;
	s24 =	sld [smem:$0x3FFE];
	[sflag:s23] =	ssyncadd.s32 $0xFFFFFFFF  }
0xa7: {  	s26 =	simm.s32 $execute0_lowered;
	[smem:$0x3FD2] =	sst s25  }
0xa8: {  	s7 =	sshll.u32 s26, $0x1;
	_ =	strace $0x80000046;
	[dreg:$0x1] =	wrdreg $0xFFFFFFFF  }
0xa9: {  	s28 =	simm.s32 $_size_execute0_lowered;
	s5 =	sadd.s32 s5, s7;
	[dreg:$0x0] =	wrdreg $0x0  }
0xaa: {  	s7 =	sshll.u32 s28, $0x1;
	[dreg:$0x2] =	wrdreg s5  }
0xab: {  	[dreg:$0x3] =	wrdreg s7  }
0xac: {  	[dreg:$0x4] =	wrdreg $0xC0  }
0xad: {  	_ =	task [dreg:s9], $0x5FFFF  }
0xae: {  	[dreg:$0x1] =	wrdreg $0xFFFFFFFF  }
0xaf: {  	[dreg:$0x0] =	wrdreg $0x60  }
0xb0: {  	[dreg:$0x2] =	wrdreg s2  }
0xb1: {  	[dreg:$0x3] =	wrdreg s18  }
0xb2: {  	[dreg:$0x4] =	wrdreg s4  }
0xb3: {  	[dreg:$0x5] =	wrdreg s24  }
0xb4: {  	[dreg:$0x6] =	wrdreg $0x9  }
0xb5: {  	_ =	task.clear_ibuf [dreg:s9], $0x7FFFF;
	_ =	strace $0x90000046  }
0xb6: {  	s29 =	simm.s32 $0x9;
	_ =	strace $0x80000048  }
0xb7: {  	_ =	swait.ge [sflag:s29], $0x1  }
0xb8: {  	[sflag:s29] =	ssyncadd.s32 $0xFFFFFFFF  }
0xb9: {  	_ =	strace $0x90000048  }
0xba: {  	_ =	sfence  }
0xbb: {  	s30 =	sld [smem:$0x0];
	_ =	sdelay $0x2  }
0xbc: {  	s31 =	sshll.u32 s1, $0xD;
	s1 =	sshrl.u32 s1, $0x2  }
0xbd: {  	s3 =	sand.u32 $0x4000, s31;
	s1 =	sadd.s32 s1, s30  }
0xbe: {  	s0 =	sor.u32 s3, s0;
	s1 =	sshll.u32 s1, $0x11  }
0xbf: {  	s0 =	sor.u32 s1, s0  }
0xc0: {  	s0 =	sadd.s32 $0x8F2B, s0  }
0xc1: {  	[sflag:s0] =	ssyncadd.remote.s32 $0x1  }
0xc2: {  	_ =	sfence.sel $0xFFFF  }
0xc3: {  	[dreg:$0x0] =	wrdreg $0xFFFFFFFF;
	(pc) =	sbr.abs _section_cstart, $3  }
0xc4: {  	[dreg:$0x1] =	wrdreg $0xFFFFFFFF  }
0xc5: {  	_ =	task.clear_ibuf [dreg:s9], $0x2FFFF;
	_ =	strace $0x9FFFFFFF  }
0xc6: {  	(tm) =	ssettm $0x7FFFFFFF  }
0xc7: {  	_ =	shalt  }
tec
execute0_lowered:
.L_overlay_start_1:
0x0: {  	(tag) =	ssettag $0x1  }
0x1: {  	s0 =	rddreg [dreg:$0x0]  }
0x2: {  	s3 =	rddreg [dreg:$0x1]  }
0x3: {  	s1 =	rddreg [dreg:$0x2]  }
0x4: {  	s5 =	rddreg [dreg:$0x3];
	s2 =	simm.s32 $0x0  }
0x5: {  	s6 =	srdreg.scid;
	s8 =	stileid.u32;
	s11 =	simm.s32 $0x400  }
0x6: {  	s12 =	simm.s32 $0x7A1400;
	s28 =	simm.s32 $0x7500;
	s29 =	simm.s32 $0x12100  }
0x7: {  	s30 =	simm.s32 $0x3;
	s31 =	simm.s32 $0x1;
	[smem:$0x7FF] =	sst s2  }
0x8: {  	s4 =	sadd.s32 $0x400, s5;
	s6 =	sand.u32 $0x1, s6;
	s7 =	sshll.u32 s8, $0xE  }
0x9: {  	s8 =	sshll.u32 s8, $0xA;
	_ =	strace $0x80000047;
	s9 =	sshll.u32 s6, $0x9  }
0xa: {  	s7 =	sadd.s32 s7, s5;
	s24 =	ssub.s32 $0x2, s6;
	s6 =	sshll.u32 s6, $0xD  }
0xb: {  	s8 =	sor.u32 s9, s8;
	s25 =	sshrl.u32 s24, $0x1;
	s26 =	sadd.s32 s6, s7  }
0xc: {  	v0 =	vlaneseq.u32;
	s8 =	sshrl.u32 s8, $0x3;
	s9 =	ssub.s32 s24, s25;
	s14 =	sadd.s32 $0x186E00, s26  }
0xd: {  	v0 =	vmul.u32 $0x80, v0;
	s24 =	simm.s32 $0x11900;
	s25 =	simm.s32 $0x6500;
	s26 =	simm.s32 $0x11D00  }
0xe: {  	s5 =	sadd.s32 s0, s8;
	s6 =	sadd.s32 s3, s8;
	s7 =	smax.u32 s9, $0x1  }
0xf: {  	v1 =	vor.u32 $0x800, v0;
	s9 =	simm.s32 $0x4;
	s0 =	simm.s32 $0x2;
	s3 =	simm.s32 $0x0  }
.LBB2_1:
0x10: {  	[tilespmem:s2], [sflag:$0x4] =	stream.linear.gather [hbm4b:s5+s2], $0x200, $0x38;
	[tilespmem:$0x14D00] =	vst v63  }
0x11: {  	_ =	swait.ge [sflag:s9], $0x200  }
0x12: {  	[sflag:s9] =	ssyncset.done $0x0  }
0x13: {  	s8 =	simm.s32 $0x280;
	[sflag:s9] =	ssyncadd.s32 $0xFFFFFE00  }
0x14: {  	[tilespmem:s8], [sflag:$0x4] =	stream.linear.gather [hbm4b:s6+s2], $0x200, $0x38;
	[tilespmem:$0x14D00] =	vst v63  }
0x15: {  	_ =	swait.ge [sflag:s9], $0x200  }
0x16: {  	[sflag:s9] =	ssyncset.done $0x0  }
0x17: {  	[sflag:s9] =	ssyncadd.s32 $0xFFFFFE00  }
0x18: {  	v2 =	vld [tilespmem:$0x0]  }
0x19: {  	v3 =	vld [tilespmem:$0x280];
	_ =	sdelay $0x3  }
0x1a: {  	v2 =	vshrl.u32 v2, $0x7  }
0x1b: {  	v3 =	vshrl.u32 v3, $0x3;
	v2 =	vshll.u32 v2, $0x7  }
0x1c: {  	v3 =	vshll.u32 v3, $0x7;
	(v2sf) =	vpush v2, $0x0  }
0x1d: {  	(v2sf) =	vpush v3, $0x0;
	_ =	sdelay $0x5  }
0x1e: {  	(v2sf) =	vpush v2, $0x1;
	_ =	sdelay $0x1  }
0x1f: {  	(v2sf) =	vpush v3, $0x1;
	_ =	sdelay $0x5  }
0x20: {  	s15 =	spop (v2sf);
	(v2sf) =	vpush v2, $0x2  }
0x21: {  	s16 =	spop (v2sf);
	(v2sf) =	vpush v3, $0x2;
	_ =	sdelay $0x4  }
0x22: {  	s8 =	sand.u32 $0x1FFFFF80, s15;
	(v2sf) =	vpush v2, $0x3  }
0x23: {  	s10 =	simm.s32 $0x500;
	s8 =	sadd.s32 s1, s8;
	s18 =	spop (v2sf)  }
0x24: {  	[tilespmem:s10], [sflag:$0x1] =	stream.strided.gather [hbm4b:s8+s11], $0x1000, s12, s11, $0x38;
	[tilespmem:$0x14D00] =	vst v63  }
0x25: {  	s8 =	sand.u32 $0x1FFFFF80, s16;
	s20 =	spop (v2sf);
	(v2sf) =	vpush v3, $0x3  }
0x26: {  	s17 =	simm.s32 $0x10500;
	s8 =	sadd.s32 s4, s8  }
0x27: {  	[tilespmem:s17], [sflag:$0x2] =	stream.linear.gather [hbm4b:s8+s2], $0x400, $0x38;
	[tilespmem:$0x14D00] =	vst v63  }
0x28: {  	s8 =	sand.u32 $0x1FFFFF80, s18  }
0x29: {  	s19 =	simm.s32 $0x1500;
	s8 =	sadd.s32 s1, s8  }
0x2a: {  	[tilespmem:s19], [sflag:$0x1] =	stream.strided.gather [hbm4b:s8+s11], $0x1000, s12, s11, $0x38;
	[tilespmem:$0x14D00] =	vst v63  }
0x2b: {  	s8 =	sand.u32 $0x1FFFFF80, s20;
	s22 =	spop (v2sf);
	(v2sf) =	vpush v2, $0x4  }
0x2c: {  	s21 =	simm.s32 $0x10900;
	s8 =	sadd.s32 s4, s8;
	s13 =	spop (v2sf);
	(v2sf) =	vpush v3, $0x4  }
0x2d: {  	[tilespmem:s21], [sflag:$0x2] =	stream.linear.gather [hbm4b:s8+s2], $0x400, $0x38;
	[tilespmem:$0x14D00] =	vst v63  }
0x2e: {  	s8 =	sand.u32 $0x1FFFFF80, s22;
	(v2sf) =	vpush v2, $0x5  }
0x2f: {  	s23 =	simm.s32 $0x2500;
	s8 =	sadd.s32 s1, s8  }
0x30: {  	[tilespmem:s23], [sflag:$0x1] =	stream.strided.gather [hbm4b:s8+s11], $0x1000, s12, s11, $0x38;
	[tilespmem:$0x14D00] =	vst v63  }
0x31: {  	s16 =	spop (v2sf);
	s8 =	sand.u32 $0x1FFFFF80, s13;
	(v2sf) =	vpush v3, $0x5  }
0x32: {  	s15 =	simm.s32 $0x10D00;
	s8 =	sadd.s32 s4, s8  }
0x33: {  	[tilespmem:s15], [sflag:$0x2] =	stream.linear.gather [hbm4b:s8+s2], $0x400, $0x38;
	[tilespmem:$0x14D00] =	vst v63  }
0x34: {  	s18 =	spop (v2sf);
	(v2sf) =	vpush v2, $0x6;
	s8 =	sand.u32 $0x1FFFFF80, s16  }
0x35: {  	s17 =	simm.s32 $0x3500;
	s8 =	sadd.s32 s1, s8  }
0x36: {  	[tilespmem:s17], [sflag:$0x1] =	stream.strided.gather [hbm4b:s8+s11], $0x1000, s12, s11, $0x38;
	[tilespmem:$0x14D00] =	vst v63  }
0x37: {  	s8 =	sand.u32 $0x1FFFFF80, s18  }
0x38: {  	s19 =	simm.s32 $0x11100;
	s8 =	sadd.s32 s4, s8  }
0x39: {  	[tilespmem:s19], [sflag:$0x2] =	stream.linear.gather [hbm4b:s8+s2], $0x400, $0x38;
	[tilespmem:$0x14D00] =	vst v63  }
0x3a: {  	s20 =	spop (v2sf);
	(v2sf) =	vpush v3, $0x6  }
0x3b: {  	s22 =	spop (v2sf);
	(v2sf) =	vpush v2, $0x7  }
0x3c: {  	s8 =	sand.u32 $0x1FFFFF80, s20  }
0x3d: {  	s21 =	simm.s32 $0x4500;
	s8 =	sadd.s32 s1, s8;
	s13 =	spop (v2sf)  }
0x3e: {  	(v2sf) =	vpush v3, $0x7;
	[tilespmem:s21], [sflag:$0x1] =	stream.strided.gather [hbm4b:s8+s11], $0x1000, s12, s11, $0x38;
	[tilespmem:$0x14D00] =	vst v63  }
0x3f: {  	s8 =	sand.u32 $0x1FFFFF80, s22  }
0x40: {  	s23 =	simm.s32 $0x11500;
	s15 =	spop (v2sf);
	s8 =	sadd.s32 s4, s8  }
0x41: {  	[tilespmem:s23], [sflag:$0x2] =	stream.linear.gather [hbm4b:s8+s2], $0x400, $0x38;
	[tilespmem:$0x14D00] =	vst v63  }
0x42: {  	s16 =	sand.u32 $0x1FFFFF80, s15;
	s8 =	sand.u32 $0x1FFFFF80, s13  }
0x43: {  	s17 =	spop (v2sf);
	s13 =	simm.s32 $0x5500;
	s8 =	sadd.s32 s1, s8  }
0x44: {  	[tilespmem:s13], [sflag:$0x1] =	stream.strided.gather [hbm4b:s8+s11], $0x1000, s12, s11, $0x38;
	[tilespmem:$0x14D00] =	vst v63  }
0x45: {  	s18 =	sand.u32 $0x1FFFFF80, s17;
	s8 =	sadd.s32 s4, s16  }
0x46: {  	[tilespmem:s24], [sflag:$0x2] =	stream.linear.gather [hbm4b:s8+s2], $0x400, $0x38;
	[tilespmem:$0x14D00] =	vst v63  }
0x47: {  	s8 =	sadd.s32 s1, s18  }
0x48: {  	[tilespmem:s25], [sflag:$0x1] =	stream.strided.gather [hbm4b:s8+s11], $0x1000, s12, s11, $0x38;
	[tilespmem:$0x14D00] =	vst v63  }
0x49: {  	s19 =	spop (v2sf)  }
0x4a: {  	s20 =	sand.u32 $0x1FFFFF80, s19;
	s21 =	spop (v2sf)  }
0x4b: {  	s8 =	sadd.s32 s4, s20;
	s22 =	sand.u32 $0x1FFFFF80, s21  }
0x4c: {  	[tilespmem:s26], [sflag:$0x2] =	stream.linear.gather [hbm4b:s8+s2], $0x400, $0x38;
	[tilespmem:$0x14D00] =	vst v63  }
0x4d: {  	s23 =	spop (v2sf);
	s8 =	sadd.s32 s1, s22  }
0x4e: {  	[tilespmem:s28], [sflag:$0x1] =	stream.strided.gather [hbm4b:s8+s11], $0x1000, s12, s11, $0x38;
	[tilespmem:$0x14D00] =	vst v63  }
0x4f: {  	s8 =	sand.u32 $0x1FFFFF80, s23  }
0x50: {  	s10 =	simm.s32 $0x8;
	s8 =	sadd.s32 s4, s8  }
0x51: {  	[tilespmem:s29], [sflag:$0x2] =	stream.linear.gather [hbm4b:s8+s2], $0x400, $0x38;
	[tilespmem:$0x14D00] =	vst v63  }
0x52: {  	s15 =	simm.s32 $0x0;
	s13 =	simm.s32 $0x288;
	s8 =	smov.u32 s14  }
.LBB2_2:
0x53: {  	p0 =	seq.s32 s15, $0x3F  }
0x54: {  	v2 =	vld @!p0 [tilespmem:s10+$0x0];
	_ =	sdelay $0x3  }
0x55: {  	v3 =	vld @!p0 [tilespmem:s13+$0x0]  }
0x56: {  	v2 =	vshrl.u32 @!p0 v2, $0x7  }
0x57: {  	v2 =	vshll.u32 @!p0 v2, $0x7  }
0x58: {  	(v2sf) =	vpush @!p0 v2, $0x0;
	_ =	sdelay $0x1  }
0x59: {  	v3 =	vshrl.u32 @!p0 v3, $0x3  }
0x5a: {  	v3 =	vshll.u32 @!p0 v3, $0x7  }
0x5b: {  	(v2sf) =	vpush @!p0 v3, $0x0;
	_ =	sdelay $0x3  }
0x5c: {  	(v2sf) =	vpush @!p0 v2, $0x1;
	_ =	sdelay $0x3  }
0x5d: {  	(v2sf) =	vpush @!p0 v3, $0x1;
	_ =	sdelay $0x1  }
0x5e: {  	s16 =	sadd.s32 $0x1, s15  }
0x5f: {  	s20 =	sand.u32 @!p0 $0x1, s16;
	s19 =	simm.s32 @!p0 $0x7A1400;
	s18 =	spop @!p0 (v2sf)  }
0x60: {  	s17 =	sshll.u32 @!p0 s20, $0xF;
	(v2sf) =	vpush @!p0 v2, $0x2;
	s18 =	sand.u32 @!p0 $0x1FFFFF80, s18  }
0x61: {  	s21 =	sor.u32 @!p0 $0x500, s17;
	s22 =	sadd.s32 @!p0 s1, s18;
	s18 =	simm.s32 @!p0 $0x400  }
0x62: {  	[tilespmem:s21], [sflag:$0x1] =	stream.strided.gather @!p0 [hbm4b:s22+s18], $0x1000, s19, s18, $0x38;
	[tilespmem:$0x14D00] =	vst v63  }
0x63: {  	s21 =	spop @!p0 (v2sf)  }
0x64: {  	s20 =	sshll.u32 @!p0 s20, $0xD;
	(v2sf) =	vpush @!p0 v3, $0x2;
	s21 =	sand.u32 @!p0 $0x1FFFFF80, s21  }
0x65: {  	s22 =	sor.u32 @!p0 $0x10500, s20;
	s23 =	sadd.s32 @!p0 s4, s21;
	s21 =	simm.s32 @!p0 $0x0  }
0x66: {  	[tilespmem:s22], [sflag:$0x2] =	stream.linear.gather @!p0 [hbm4b:s23+s21], $0x400, $0x38;
	[tilespmem:$0x14D00] =	vst v63  }
0x67: {  	s22 =	spop @!p0 (v2sf)  }
0x68: {  	(v2sf) =	vpush @!p0 v2, $0x3;
	s22 =	sand.u32 @!p0 $0x1FFFFF80, s22  }
0x69: {  	s23 =	sor.u32 @!p0 $0x1500, s17;
	s22 =	sadd.s32 @!p0 s1, s22  }
0x6a: {  	[tilespmem:s23], [sflag:$0x1] =	stream.strided.gather @!p0 [hbm4b:s22+s18], $0x1000, s19, s18, $0x38;
	[tilespmem:$0x14D00] =	vst v63  }
0x6b: {  	s22 =	spop @!p0 (v2sf)  }
0x6c: {  	(v2sf) =	vpush @!p0 v3, $0x3;
	s22 =	sand.u32 @!p0 $0x1FFFFF80, s22  }
0x6d: {  	s23 =	sor.u32 @!p0 $0x10900, s20;
	s22 =	sadd.s32 @!p0 s4, s22  }
0x6e: {  	[tilespmem:s23], [sflag:$0x2] =	stream.linear.gather @!p0 [hbm4b:s22+s21], $0x400, $0x38;
	[tilespmem:$0x14D00] =	vst v63  }
0x6f: {  	s22 =	spop @!p0 (v2sf)  }
0x70: {  	(v2sf) =	vpush @!p0 v2, $0x4;
	s22 =	sand.u32 @!p0 $0x1FFFFF80, s22  }
0x71: {  	s23 =	sor.u32 @!p0 $0x2500, s17;
	s22 =	sadd.s32 @!p0 s1, s22  }
0x72: {  	[tilespmem:s23], [sflag:$0x1] =	stream.strided.gather @!p0 [hbm4b:s22+s18], $0x1000, s19, s18, $0x38;
	[tilespmem:$0x14D00] =	vst v63  }
0x73: {  	s22 =	spop @!p0 (v2sf)  }
0x74: {  	(v2sf) =	vpush @!p0 v3, $0x4;
	s22 =	sand.u32 @!p0 $0x1FFFFF80, s22  }
0x75: {  	s23 =	sor.u32 @!p0 $0x10D00, s20;
	s22 =	sadd.s32 @!p0 s4, s22  }
0x76: {  	[tilespmem:s23], [sflag:$0x2] =	stream.linear.gather @!p0 [hbm4b:s22+s21], $0x400, $0x38;
	[tilespmem:$0x14D00] =	vst v63  }
0x77: {  	s22 =	spop @!p0 (v2sf)  }
0x78: {  	(v2sf) =	vpush @!p0 v2, $0x5;
	s22 =	sand.u32 @!p0 $0x1FFFFF80, s22  }
0x79: {  	s23 =	sor.u32 @!p0 $0x3500, s17;
	s22 =	sadd.s32 @!p0 s1, s22  }
0x7a: {  	[tilespmem:s23], [sflag:$0x1] =	stream.strided.gather @!p0 [hbm4b:s22+s18], $0x1000, s19, s18, $0x38;
	[tilespmem:$0x14D00] =	vst v63  }
0x7b: {  	s22 =	spop @!p0 (v2sf)  }
0x7c: {  	(v2sf) =	vpush @!p0 v3, $0x5;
	s22 =	sand.u32 @!p0 $0x1FFFFF80, s22  }
0x7d: {  	s23 =	sor.u32 @!p0 $0x11100, s20;
	s22 =	sadd.s32 @!p0 s4, s22  }
0x7e: {  	[tilespmem:s23], [sflag:$0x2] =	stream.linear.gather @!p0 [hbm4b:s22+s21], $0x400, $0x38;
	[tilespmem:$0x14D00] =	vst v63  }
0x7f: {  	s22 =	spop @!p0 (v2sf)  }
0x80: {  	(v2sf) =	vpush @!p0 v2, $0x6;
	s22 =	sand.u32 @!p0 $0x1FFFFF80, s22  }
0x81: {  	s23 =	sor.u32 @!p0 $0x4500, s17;
	s22 =	sadd.s32 @!p0 s1, s22  }
0x82: {  	[tilespmem:s23], [sflag:$0x1] =	stream.strided.gather @!p0 [hbm4b:s22+s18], $0x1000, s19, s18, $0x38;
	[tilespmem:$0x14D00] =	vst v63  }
0x83: {  	s22 =	spop @!p0 (v2sf)  }
0x84: {  	(v2sf) =	vpush @!p0 v3, $0x6;
	s22 =	sand.u32 @!p0 $0x1FFFFF80, s22  }
0x85: {  	s23 =	sor.u32 @!p0 $0x11500, s20;
	s22 =	sadd.s32 @!p0 s4, s22  }
0x86: {  	[tilespmem:s23], [sflag:$0x2] =	stream.linear.gather @!p0 [hbm4b:s22+s21], $0x400, $0x38;
	[tilespmem:$0x14D00] =	vst v63  }
0x87: {  	s22 =	spop @!p0 (v2sf)  }
0x88: {  	(v2sf) =	vpush @!p0 v2, $0x7;
	s22 =	sand.u32 @!p0 $0x1FFFFF80, s22  }
0x89: {  	s23 =	sor.u32 @!p0 $0x5500, s17;
	s22 =	sadd.s32 @!p0 s1, s22  }
0x8a: {  	[tilespmem:s23], [sflag:$0x1] =	stream.strided.gather @!p0 [hbm4b:s22+s18], $0x1000, s19, s18, $0x38;
	[tilespmem:$0x14D00] =	vst v63  }
0x8b: {  	s22 =	spop @!p0 (v2sf)  }
0x8c: {  	(v2sf) =	vpush @!p0 v3, $0x7;
	s22 =	sand.u32 @!p0 $0x1FFFFF80, s22  }
0x8d: {  	s23 =	sor.u32 @!p0 $0x11900, s20;
	s22 =	sadd.s32 @!p0 s4, s22  }
0x8e: {  	[tilespmem:s23], [sflag:$0x2] =	stream.linear.gather @!p0 [hbm4b:s22+s21], $0x400, $0x38;
	[tilespmem:$0x14D00] =	vst v63  }
0x8f: {  	s22 =	spop @!p0 (v2sf)  }
0x90: {  	s22 =	sand.u32 @!p0 $0x1FFFFF80, s22  }
0x91: {  	s23 =	sor.u32 @!p0 $0x6500, s17;
	s22 =	sadd.s32 @!p0 s1, s22  }
0x92: {  	[tilespmem:s23], [sflag:$0x1] =	stream.strided.gather @!p0 [hbm4b:s22+s18], $0x1000, s19, s18, $0x38;
	[tilespmem:$0x14D00] =	vst v63  }
0x93: {  	s22 =	spop @!p0 (v2sf)  }
0x94: {  	s22 =	sand.u32 @!p0 $0x1FFFFF80, s22  }
0x95: {  	s23 =	sor.u32 @!p0 $0x11D00, s20;
	s22 =	sadd.s32 @!p0 s4, s22  }
0x96: {  	[tilespmem:s23], [sflag:$0x2] =	stream.linear.gather @!p0 [hbm4b:s22+s21], $0x400, $0x38;
	[tilespmem:$0x14D00] =	vst v63  }
0x97: {  	s22 =	spop @!p0 (v2sf)  }
0x98: {  	s22 =	sand.u32 @!p0 $0x1FFFFF80, s22  }
0x99: {  	s17 =	sor.u32 @!p0 $0x7500, s17;
	s22 =	sadd.s32 @!p0 s1, s22  }
0x9a: {  	[tilespmem:s17], [sflag:$0x1] =	stream.strided.gather @!p0 [hbm4b:s22+s18], $0x1000, s19, s18, $0x38;
	[tilespmem:$0x14D00] =	vst v63  }
0x9b: {  	s17 =	spop @!p0 (v2sf)  }
0x9c: {  	s17 =	sand.u32 @!p0 $0x1FFFFF80, s17  }
0x9d: {  	p1 =	slt.u32 @!p0 s15, $0x2;
	s18 =	sadd.s32 @!p0 $0x12100, s20;
	s17 =	sadd.s32 @!p0 s4, s17  }
0x9e: {  	[tilespmem:s18], [sflag:$0x2] =	stream.linear.gather @!p0 [hbm4b:s17+s21], $0x400, $0x38;
	[tilespmem:$0x14D00] =	vst v63  }
0x9f: {  	p0 =	por p0, !p1  }
0xa0: {  	_ =	swait.ge @p0 [sflag:s30], $0x400  }
0xa1: {  	[sflag:s30] =	ssyncset.done @p0 $0x0  }
0xa2: {  	[sflag:s30] =	ssyncadd.s32 @p0 $0xFFFFFC00  }
0xa3: {  	v2 =	vld [tilespmem:s10+$0xFFFFFFF8]  }
0xa4: {  	v3 =	vld [tilespmem:s13+$0xFFFFFFF8];
	_ =	swait.ge [sflag:s31], $0x1000  }
0xa5: {  	[sflag:s31] =	ssyncset.done $0x0  }
0xa6: {  	[sflag:s31] =	ssyncadd.s32 $0xFFFFF000  }
0xa7: {  	_ =	swait.ge [sflag:s31], $0x1000  }
0xa8: {  	[sflag:s31] =	ssyncset.done $0x0  }
0xa9: {  	[sflag:s31] =	ssyncadd.s32 $0xFFFFF000  }
0xaa: {  	_ =	swait.ge [sflag:s31], $0x1000  }
0xab: {  	[sflag:s31] =	ssyncset.done $0x0  }
0xac: {  	[sflag:s31] =	ssyncadd.s32 $0xFFFFF000  }
0xad: {  	_ =	swait.ge [sflag:s31], $0x1000  }
0xae: {  	[sflag:s31] =	ssyncset.done $0x0  }
0xaf: {  	[sflag:s31] =	ssyncadd.s32 $0xFFFFF000  }
0xb0: {  	_ =	swait.ge [sflag:s31], $0x1000  }
0xb1: {  	[sflag:s31] =	ssyncset.done $0x0  }
0xb2: {  	[sflag:s31] =	ssyncadd.s32 $0xFFFFF000  }
0xb3: {  	_ =	swait.ge [sflag:s31], $0x1000  }
0xb4: {  	[sflag:s31] =	ssyncset.done $0x0  }
0xb5: {  	[sflag:s31] =	ssyncadd.s32 $0xFFFFF000  }
0xb6: {  	_ =	swait.ge [sflag:s31], $0x1000  }
0xb7: {  	[sflag:s31] =	ssyncset.done $0x0  }
0xb8: {  	[sflag:s31] =	ssyncadd.s32 $0xFFFFF000  }
0xb9: {  	s21 =	sand.u32 $0x1, s15;
	v2 =	vand.u32 $0x7F, v2;
	_ =	swait.ge [sflag:s31], $0x1000  }
0xba: {  	s22 =	sshll.u32 s21, $0xD;
	v3 =	vand.u32 $0x7, v3;
	v4 =	vbroadcast v2, $0x0;
	[sflag:s31] =	ssyncset.done $0x0  }
0xbb: {  	s17 =	sor.u32 $0x10500, s22;
	v3 =	vshll.u32 v3, $0x7;
	[sflag:s31] =	ssyncadd.s32 $0xFFFFF000  }
0xbc: {  	v3 =	vadd.s32 s17, v3;
	v5 =	vor.u32 v0, v4;
	_ =	swait.ge [sflag:s0], $0x2000  }
0xbd: {  	(v2sf) =	vpush v3, $0x0;
	_ =	sdelay $0x1  }
0xbe: {  	s17 =	sshll.u32 s21, $0xF;
	[sflag:s0] =	ssyncset.done $0x0  }
0xbf: {  	s23 =	sor.u32 $0x500, s17;
	[sflag:s0] =	ssyncadd.s32 $0xFFFFE000  }
0xc0: {  	v5 =	vld.idx.msk [tilespmem:v5+s23+$0x0], $0xffff  }
0xc1: {  	v4 =	vor.u32 v1, v4;
	_ =	sdelay $0x2  }
0xc2: {  	s15 =	sshll.u32 s21, $0xA  }
0xc3: {  	[tilespmem:s15+$0x14500] =	vst v5  }
0xc4: {  	v4 =	vld.idx.msk [tilespmem:v4+s23+$0x0], $0xffff;
	_ =	sdelay $0x4  }
0xc5: {  	v52 =	vbroadcast v2, $0x1;
	[tilespmem:s15+$0x14510] =	vst v4;
	s19 =	spop (v2sf)  }
0xc6: {  	v5 =	vld [tilespmem:s19+$0x0]  }
0xc7: {  	v6 =	vor.u32 v0, v52  }
0xc8: {  	(v2sf) =	vpush v3, $0x1;
	_ =	sdelay $0x2  }
0xc9: {  	s20 =	sor.u32 $0x1500, s17;
	[tilespmem:s15+$0x14520] =	vst v5  }
0xca: {  	v5 =	vld.idx.msk [tilespmem:v6+s20+$0x0], $0xffff  }
0xcb: {  	v4 =	vor.u32 v1, v52;
	_ =	sdelay $0x3  }
0xcc: {  	[tilespmem:s15+$0x14580] =	vst v5  }
0xcd: {  	v4 =	vld.idx.msk [tilespmem:v4+s20+$0x0], $0xffff;
	_ =	sdelay $0x4  }
0xce: {  	v53 =	vbroadcast v2, $0x2;
	s21 =	spop (v2sf);
	[tilespmem:s15+$0x14590] =	vst v4  }
0xcf: {  	v5 =	vld [tilespmem:s21+$0x400]  }
0xd0: {  	v54 =	vor.u32 v0, v53  }
0xd1: {  	(v2sf) =	vpush v3, $0x2;
	_ =	sdelay $0x2  }
0xd2: {  	s22 =	sor.u32 $0x2500, s17;
	[tilespmem:s15+$0x145A0] =	vst v5  }
0xd3: {  	v5 =	vld.idx.msk [tilespmem:v54+s22+$0x0], $0xffff  }
0xd4: {  	v4 =	vor.u32 v1, v53;
	_ =	sdelay $0x3  }
0xd5: {  	[tilespmem:s15+$0x14600] =	vst v5  }
0xd6: {  	v4 =	vld.idx.msk [tilespmem:v4+s22+$0x0], $0xffff;
	_ =	sdelay $0x4  }
0xd7: {  	v55 =	vbroadcast v2, $0x3;
	s23 =	spop (v2sf);
	[tilespmem:s15+$0x14610] =	vst v4  }
0xd8: {  	v5 =	vld [tilespmem:s23+$0x800]  }
0xd9: {  	v56 =	vor.u32 v0, v55  }
0xda: {  	(v2sf) =	vpush v3, $0x3;
	_ =	sdelay $0x2  }
0xdb: {  	s19 =	sor.u32 $0x3500, s17;
	[tilespmem:s15+$0x14620] =	vst v5  }
0xdc: {  	v5 =	vld.idx.msk [tilespmem:v56+s19+$0x0], $0xffff  }
0xdd: {  	v4 =	vor.u32 v1, v55;
	_ =	sdelay $0x3  }
0xde: {  	[tilespmem:s15+$0x14680] =	vst v5  }
0xdf: {  	v4 =	vld.idx.msk [tilespmem:v4+s19+$0x0], $0xffff;
	_ =	sdelay $0x4  }
0xe0: {  	v57 =	vbroadcast v2, $0x4;
	s20 =	spop (v2sf);
	[tilespmem:s15+$0x14690] =	vst v4  }
0xe1: {  	v5 =	vld [tilespmem:s20+$0xC00]  }
0xe2: {  	v58 =	vor.u32 v0, v57  }
0xe3: {  	(v2sf) =	vpush v3, $0x4;
	_ =	sdelay $0x2  }
0xe4: {  	s21 =	sor.u32 $0x4500, s17;
	[tilespmem:s15+$0x146A0] =	vst v5  }
0xe5: {  	v5 =	vld.idx.msk [tilespmem:v58+s21+$0x0], $0xffff  }
0xe6: {  	v4 =	vor.u32 v1, v57;
	_ =	sdelay $0x3  }
0xe7: {  	[tilespmem:s15+$0x14700] =	vst v5  }
0xe8: {  	v4 =	vld.idx.msk [tilespmem:v4+s21+$0x0], $0xffff;
	_ =	sdelay $0x4  }
0xe9: {  	v59 =	vbroadcast v2, $0x5;
	s22 =	spop (v2sf);
	[tilespmem:s15+$0x14710] =	vst v4  }
0xea: {  	v5 =	vld [tilespmem:s22+$0x1000]  }
0xeb: {  	v60 =	vor.u32 v0, v59  }
0xec: {  	(v2sf) =	vpush v3, $0x5;
	_ =	sdelay $0x2  }
0xed: {  	s23 =	sor.u32 $0x5500, s17;
	[tilespmem:s15+$0x14720] =	vst v5  }
0xee: {  	v5 =	vld.idx.msk [tilespmem:v60+s23+$0x0], $0xffff  }
0xef: {  	v4 =	vor.u32 v1, v59;
	_ =	sdelay $0x3  }
0xf0: {  	[tilespmem:s15+$0x14780] =	vst v5  }
0xf1: {  	v4 =	vld.idx.msk [tilespmem:v4+s23+$0x0], $0xffff;
	_ =	sdelay $0x4  }
0xf2: {  	v61 =	vbroadcast v2, $0x6;
	s19 =	spop (v2sf);
	[tilespmem:s15+$0x14790] =	vst v4  }
0xf3: {  	v5 =	vld [tilespmem:s19+$0x1400]  }
0xf4: {  	v62 =	vor.u32 v0, v61  }
0xf5: {  	(v2sf) =	vpush v3, $0x6;
	_ =	sdelay $0x2  }
0xf6: {  	s20 =	sor.u32 $0x6500, s17;
	[tilespmem:s15+$0x147A0] =	vst v5  }
0xf7: {  	v5 =	vld.idx.msk [tilespmem:v62+s20+$0x0], $0xffff  }
0xf8: {  	v4 =	vor.u32 v1, v61;
	_ =	sdelay $0x3  }
0xf9: {  	[tilespmem:s15+$0x14800] =	vst v5  }
0xfa: {  	v4 =	vld.idx.msk [tilespmem:v4+s20+$0x0], $0xffff;
	_ =	sdelay $0x4  }
0xfb: {  	v2 =	vbroadcast v2, $0x7;
	s21 =	spop (v2sf);
	[tilespmem:s15+$0x14810] =	vst v4  }
0xfc: {  	v4 =	vld [tilespmem:s21+$0x1800]  }
0xfd: {  	v63 =	vor.u32 v0, v2  }
0xfe: {  	(v2sf) =	vpush v3, $0x7;
	_ =	sdelay $0x2  }
0xff: {  	s17 =	sor.u32 $0x7500, s17;
	[tilespmem:s15+$0x14820] =	vst v4  }
0x100: {  	v3 =	vld.idx.msk [tilespmem:v63+s17+$0x0], $0xffff  }
0x101: {  	v2 =	vor.u32 v1, v2;
	_ =	sdelay $0x3  }
0x102: {  	[tilespmem:s15+$0x14880] =	vst v3  }
0x103: {  	v2 =	vld.idx.msk [tilespmem:v2+s17+$0x0], $0xffff;
	_ =	sdelay $0x4  }
0x104: {  	s22 =	spop (v2sf);
	[tilespmem:s15+$0x14890] =	vst v2  }
0x105: {  	v2 =	vld [tilespmem:s22+$0x1C00];
	_ =	sdelay $0x1  }
0x106: {  	p0 =	sne.s32 s16, $0x40  }
.Ltmp0:
0x107: {  	_ = 	snop;
	(pc) =	sbr.rel @p0 .LBB2_2-.Ltmp0, $4  }
0x108: {  	_ = 	snop  }
0x109: {  	s10 =	sadd.s32 $0x8, s10;
	s23 =	sadd.s32 $0x14500, s15;
	[tilespmem:s15+$0x148A0] =	vst v2  }
0x10a: {  	[hbm4b:s8+s2] =	stream.linear.scatter [tilespmem:s23], [sflag:$0x3], $0x400, $0x38;
	[tilespmem:$0x14D00] =	vst v63  }
0x10b: {  	s13 =	sadd.s32 $0x8, s13;
	s15 =	smov.u32 s16;
	s8 =	sadd.s32 $0x80, s8  }
0x10c: {  	s3 =	sadd.s32 $0x1, s3  }
0x10d: {  	_ =	swait.ge [sflag:s30], $0x400;
	p0 =	sne.s32 s3, s7  }
.Ltmp1:
0x10e: {  	[sflag:s30] =	ssyncset.done $0x0;
	(pc) =	sbr.rel @p0 .LBB2_1-.Ltmp1, $4  }
0x10f: {  	[sflag:s30] =	ssyncadd.s32 $0xFFFFFC00  }
0x110: {  	_ =	swait.ge [sflag:s30], $0x400  }
0x111: {  	[sflag:s30] =	ssyncset.done $0x0  }
0x112: {  	[sflag:s30] =	ssyncadd.s32 $0xFFFFFC00  }
0x113: {  	_ =	sfence.sel $0x180000  }
0x114: {  	[bflag:$0x0] =	sbarrier.arrive $0xFFFF  }
0x115: {  	_ =	strace $0x90000047  }
0x116: {  	s0 =	stileid.u32;
	[bflag:$0x2] =	sbarrier.arrive $0xFFFF  }
0x117: {  	p0 =	sne.s32 s0, $0x0;
	s0 =	rddreg [dreg:$0x4]  }
0x118: {  	s0 =	sadd.s32 @!p0 $0x100000, s0  }
0x119: {  	[sflag:s0] =	ssyncadd.tile.s32 @!p0 $0x1;
	_ =	shalt  }
.Lfunc_end2:
_tile_overlayer_lowered:
.L_overlay_start_2:
0x11a: {  	(tag) =	ssettag $0x2  }
0x11b: {  	s0 =	rddreg [dreg:$0x0];
	s2 =	stileid.u32  }
0x11c: {  	s1 =	rddreg [dreg:$0x1];
	p0 =	sne.s32 s2, $0x0  }
0x11d: {  	s3 =	rddreg [dreg:$0x2];
	[bflag:$0x3] =	sbarrier.arrive $0xFFFF;
	s2 =	simm.s32 @!p0 $0x1C04  }
0x11e: {  	[timem:s3], [sflag:s2] =	dma.local @!p0 [hbm:s0], s1  }
0x11f: {  	s0 =	simm.s32 @!p0 $0x4  }
0x120: {  	_ =	swait.ge @!p0 [sflag:s0], s1  }
0x121: {  	s1 =	ssub.s32 @!p0 $0x0, s1;
	[sflag:s0] =	ssyncset.done @!p0 $0x0  }
0x122: {  	[sflag:s0] =	ssyncadd.s32 @!p0 s1  }
0x123: {  	[bflag:$0x3] =	sbarrier.arrive $0xFFFF  }
0x124: {  	_ =	shalt  }

</sc_bundles>
